<compile_context>
chip_gen: v7x
topology: tpu7x:2x2x1
jax: 0.10.2.dev20260603
libtpu: 0.0.44.dev20260713+nightly
codegen_flags: <defaults>
</compile_context>

<pallas_src>
import jax
import jax.numpy as jnp
from jax import lax
from jax.experimental import pallas as pl
from jax.experimental.pallas import tpu as pltpu
from jax.experimental.pallas import tpu_sc as plsc

N = 10000
E = 320000
D = 128

NC = 2
NS = 16
NW = NC * NS
LANES = 16

EPW = E // NW
B = 200
NB = E // B
GMAX = NB // NS
NHALF = 5000
NR = 5120
DUMP = NHALF
CH = NR // NS

_vec_mesh = plsc.VectorSubcoreMesh(
    core_axis_name="c", subcore_axis_name="s", num_cores=NC, num_subcores=NS
)

_sc_params = pltpu.CompilerParams(needs_layout_passes=False)


def _sc_degrees(src3, dst3):

  @pl.kernel(
      out_type=(
          jax.ShapeDtypeStruct((NW, 1, N), jnp.float32),
          jax.ShapeDtypeStruct((NW, 1, N), jnp.float32),
      ),
      mesh=_vec_mesh,
      scratch_types=[
          pltpu.VMEM((1, EPW), jnp.int32),
          pltpu.VMEM((1, EPW), jnp.int32),
          pltpu.VMEM((1, N), jnp.float32),
          pltpu.VMEM((1, N), jnp.float32),
      ],
      compiler_params=_sc_params,
  )
  def deg_kernel(src_hbm, dst_hbm, dout_hbm, din_hbm, sv, dv, aout, ain):
    cid = lax.axis_index("c")
    sid = lax.axis_index("s")
    wid = sid * NC + cid

    pltpu.sync_copy(src_hbm.at[wid], sv)
    pltpu.sync_copy(dst_hbm.at[wid], dv)

    zeros = jnp.zeros((LANES,), jnp.float32)
    ones = jnp.ones((LANES,), jnp.float32)

    @pl.loop(0, N, step=LANES)
    def _(i):
      aout[0, pl.ds(i, LANES)] = zeros
      ain[0, pl.ds(i, LANES)] = zeros

    @pl.loop(0, EPW, step=LANES)
    def _(i):
      s = sv[0, pl.ds(i, LANES)]
      d = dv[0, pl.ds(i, LANES)]
      plsc.addupdate_scatter(aout.at[0], [s], ones)
      plsc.addupdate_scatter(ain.at[0], [d], ones)

    pltpu.sync_copy(aout, dout_hbm.at[wid])
    pltpu.sync_copy(ain, din_hbm.at[wid])

  return deg_kernel(src3, dst3)


def _sc_segsum_rows(y, srcb3, dstb3):

  @pl.kernel(
      out_type=jax.ShapeDtypeStruct((NC, NR, D), jnp.float32),
      mesh=_vec_mesh,
      scratch_types=[
          pltpu.VMEM((3, 1, B), jnp.int32),
          pltpu.VMEM((3, 1, B), jnp.int32),
          pltpu.VMEM((3, 1, B), jnp.int32),
          pltpu.VMEM((B, D), jnp.float32),
          pltpu.VMEM((B, D), jnp.float32),
          pltpu.VMEM((B, D), jnp.float32),
          pltpu.VMEM_SHARED((NR, D), jnp.float32),
          pltpu.SemaphoreType.DMA,
          pltpu.SemaphoreType.DMA,
          pltpu.SemaphoreType.DMA,
          pltpu.SemaphoreType.DMA,
          pltpu.SemaphoreType.DMA,
          pltpu.SemaphoreType.DMA,
      ],
      compiler_params=_sc_params,
  )
  def seg_kernel(y_hbm, srcb_hbm, dstb_hbm, zero_hbm, out_hbm,
                 si, di, dr, rows0, rows1, rows2, acc,
                 gs0, gs1, gs2, ss0, ss1, ss2):
    cid = lax.axis_index("c")
    sid = lax.axis_index("s")
    base = cid * NHALF
    rows = (rows0, rows1, rows2)
    gsem = (gs0, gs1, gs2)
    ssem = (ss0, ss1, ss2)

    roff = pl.multiple_of(sid * CH, 8)
    pltpu.sync_copy(zero_hbm.at[pl.ds(roff, CH)], acc.at[pl.ds(roff, CH)])
    plsc.subcore_barrier()

    def load_idx(k, s):
      b = k * NS + sid
      pltpu.sync_copy(srcb_hbm.at[b], si.at[s])
      pltpu.sync_copy(dstb_hbm.at[b], di.at[s])

      @pl.loop(0, B, step=LANES)
      def _(j):
        d = di[s, 0, pl.ds(j, LANES)] - base
        ok = (d >= 0) & (d < NHALF)
        dr[s, 0, pl.ds(j, LANES)] = jnp.where(ok, d, DUMP)

    def g_start(s):
      pltpu.async_copy(y_hbm.at[si.at[s].at[0]], rows[s], gsem[s])

    def g_wait(s):
      pltpu.make_async_copy(y_hbm.at[si.at[s].at[0]], rows[s],
                            gsem[s]).wait()

    def s_start(s):
      pltpu.async_copy(rows[s], acc.at[dr.at[s].at[0]], ssem[s], add=True)

    def s_wait(s):
      pltpu.make_async_copy(rows[s], acc.at[dr.at[s].at[0]],
                            ssem[s]).wait()

    load_idx(0, 0)
    g_start(0)
    load_idx(1, 1)
    g_start(1)

    @pl.loop(0, GMAX + 2, step=3)
    def _(k):
      for j in range(3):
        b = k + j
        s = j
        s2 = (j + 2) % 3

        @pl.when(b < GMAX)
        def _():
          @pl.when(b + 2 < GMAX)
          def _():
            @pl.when(b >= 1)
            def _():
              s_wait(s2)

            load_idx(b + 2, s2)
            g_start(s2)

          g_wait(s)
          s_start(s)

    s_wait((GMAX - 1) % 3)
    s_wait((GMAX - 2) % 3)
    s_wait((GMAX - 3) % 3)

    plsc.subcore_barrier()
    pltpu.sync_copy(acc.at[pl.ds(roff, CH)],
                    out_hbm.at[cid].at[pl.ds(roff, CH)])

  zero = jnp.zeros((NR, D), jnp.float32)
  return seg_kernel(y, srcb3, dstb3, zero)


def _sc_segsum_scalar(z, src3, dst3):

  @pl.kernel(
      out_type=jax.ShapeDtypeStruct((NW, 1, N), jnp.float32),
      mesh=_vec_mesh,
      scratch_types=[
          pltpu.VMEM((1, N), jnp.float32),
          pltpu.VMEM((1, EPW), jnp.int32),
          pltpu.VMEM((1, EPW), jnp.int32),
          pltpu.VMEM((1, N), jnp.float32),
      ],
      compiler_params=_sc_params,
  )
  def seg2_kernel(z_hbm, src_hbm, dst_hbm, out_hbm, zv, sv, dv, acc):
    cid = lax.axis_index("c")
    sid = lax.axis_index("s")
    wid = sid * NC + cid

    pltpu.sync_copy(z_hbm, zv)
    pltpu.sync_copy(src_hbm.at[wid], sv)
    pltpu.sync_copy(dst_hbm.at[wid], dv)

    zeros = jnp.zeros((LANES,), jnp.float32)

    @pl.loop(0, N, step=LANES)
    def _(i):
      acc[0, pl.ds(i, LANES)] = zeros

    @pl.loop(0, EPW, step=LANES)
    def _(i):
      s = sv[0, pl.ds(i, LANES)]
      d = dv[0, pl.ds(i, LANES)]
      vals = plsc.load_gather(zv.at[0], [s])
      plsc.addupdate_scatter(acc.at[0], [d], vals)

    pltpu.sync_copy(acc, out_hbm.at[wid])

  return seg2_kernel(z, src3, dst3)


def _norm_col(partials_ref):
  return lax.rsqrt(
      jnp.clip(jnp.sum(partials_ref[...], axis=0), 1.0, None))[:, None]


def _tc_mm1(x, w1, doutp):

  def body(doutp_ref, x_ref, w1_ref, y_ref):
    no = _norm_col(doutp_ref)
    y_ref[...] = (
        jnp.dot(x_ref[...], w1_ref[...], preferred_element_type=jnp.float32)
        * no)

  return pl.pallas_call(
      body,
      in_specs=[
          pl.BlockSpec((NW, N), lambda: (0, 0)),
          pl.BlockSpec((N, D), lambda: (0, 0)),
          pl.BlockSpec((D, D), lambda: (0, 0)),
      ],
      out_specs=pl.BlockSpec((N, D), lambda: (0, 0)),
      out_shape=jax.ShapeDtypeStruct((N, D), jnp.float32),
  )(doutp, x, w1)


RB = 1000


def _tc_mm2(aggp, nin, nout, b1, w2t):
  bpc = NHALF // RB

  def body(agg_ref, ni_ref, no_ref, b1_ref, w2_ref, z_ref):
    h = jnp.maximum(agg_ref[0] * ni_ref[...] + b1_ref[...], 0.0)
    z_ref[...] = jnp.sum(h * w2_ref[...], axis=1, keepdims=True) * no_ref[...]

  return pl.pallas_call(
      body,
      grid=(N // RB,),
      in_specs=[
          pl.BlockSpec((1, RB, D), lambda i: (i // bpc, i % bpc, 0)),
          pl.BlockSpec((RB, 1), lambda i: (i, 0)),
          pl.BlockSpec((RB, 1), lambda i: (i, 0)),
          pl.BlockSpec((1, D), lambda i: (0, 0)),
          pl.BlockSpec((1, D), lambda i: (0, 0)),
      ],
      out_specs=pl.BlockSpec((RB, 1), lambda i: (i, 0)),
      out_shape=jax.ShapeDtypeStruct((N, 1), jnp.float32),
  )(aggp, nin, nout, b1, w2t)


def _tc_norms2(doutp, dinp):

  def body(doutp_ref, dinp_ref, no_ref, ni_ref, nir_ref):
    ni = lax.rsqrt(jnp.clip(jnp.sum(dinp_ref[...], axis=0), 1.0, None))
    nir_ref[...] = ni[None, :]
    ni_ref[...] = ni[:, None]
    no_ref[...] = _norm_col(doutp_ref)

  return pl.pallas_call(
      body,
      in_specs=[
          pl.BlockSpec((NW, N), lambda: (0, 0)),
          pl.BlockSpec((NW, N), lambda: (0, 0)),
      ],
      out_specs=[
          pl.BlockSpec((N, 1), lambda: (0, 0)),
          pl.BlockSpec((N, 1), lambda: (0, 0)),
          pl.BlockSpec((1, N), lambda: (0, 0)),
      ],
      out_shape=[
          jax.ShapeDtypeStruct((N, 1), jnp.float32),
          jax.ShapeDtypeStruct((N, 1), jnp.float32),
          jax.ShapeDtypeStruct((1, N), jnp.float32),
      ],
  )(doutp, dinp)


def _tc_out(a2p, nin_row, b2):

  def body(a2p_ref, ni_ref, b2_ref, o_ref):
    s = jnp.sum(a2p_ref[...], axis=0, keepdims=True)
    o_ref[...] = jax.nn.sigmoid(s * ni_ref[...] + b2_ref[0, 0])

  return pl.pallas_call(
      body,
      in_specs=[
          pl.BlockSpec((NW, N), lambda: (0, 0)),
          pl.BlockSpec((1, N), lambda: (0, 0)),
          pl.BlockSpec((1, 1), lambda: (0, 0)),
      ],
      out_specs=pl.BlockSpec((1, N), lambda: (0, 0)),
      out_shape=jax.ShapeDtypeStruct((1, N), jnp.float32),
  )(a2p, nin_row, b2)


def kernel(x, edge_index, W1, b1, W2, b2):
  src = edge_index[0].astype(jnp.int32)
  dst = edge_index[1].astype(jnp.int32)
  srcb3 = src.reshape(NB, 1, B)
  dstb3 = dst.reshape(NB, 1, B)
  src3 = src.reshape(NW, 1, EPW)
  dst3 = dst.reshape(NW, 1, EPW)

  doutp, dinp = _sc_degrees(src3, dst3)
  doutp = doutp.reshape(NW, N)
  dinp = dinp.reshape(NW, N)
  y = _tc_mm1(x, W1, doutp)
  nout, nin, nin_row = _tc_norms2(doutp, dinp)
  aggp = _sc_segsum_rows(y, srcb3, dstb3)
  z = _tc_mm2(aggp, nin, nout, b1.reshape(1, D), W2.reshape(1, D))
  a2p = _sc_segsum_scalar(z.reshape(1, N), src3, dst3)
  out = _tc_out(a2p.reshape(NW, N), nin_row, b2.reshape(1, 1))
  return out.reshape(N, 1)

# --- scband reference (transcript-rebuilt; emitter-appended) ---
"""Pipeline reference for scband-gcn-dev-5446018532029 (READ-ONLY COPY).

The authoritative reference and input builder live on the scoring server;
editing this copy changes nothing except your own understanding.
"""

import jax, jax.numpy as jnp
import numpy as np

N_NODES = 10000
N_EDGES = 320000
D_IN = 128
D_HID = 128
D_OUT = 1


def setup_inputs(seed: int = 0) -> dict:
    key = jax.random.key(seed)
    k1, k2, k3, k4, k5, k6 = jax.random.split(key, 6)
    x = jax.random.normal(k1, (N_NODES, D_IN), dtype=jnp.float32)
    edge_index = jax.random.randint(k2, (2, N_EDGES), 0, N_NODES, dtype=jnp.int64)
    # Glorot-uniform-ish weights like dgl GraphConv
    lim1 = float(np.sqrt(6.0 / (D_IN + D_HID)))
    W1 = jax.random.uniform(k3, (D_IN, D_HID), dtype=jnp.float32, minval=-lim1, maxval=lim1)
    b1 = jnp.zeros((D_HID,), dtype=jnp.float32)
    lim2 = float(np.sqrt(6.0 / (D_HID + D_OUT)))
    W2 = jax.random.uniform(k4, (D_HID, D_OUT), dtype=jnp.float32, minval=-lim2, maxval=lim2)
    b2 = jnp.zeros((D_OUT,), dtype=jnp.float32)
    return {"x": x, "edge_index": edge_index, "W1": W1, "b1": b1, "W2": W2, "b2": b2}


def _graph_conv(x, src, dst, W, b, n_nodes):
    # dgl GraphConv with norm='both':
    # h = D_dst^{-1/2} * (sum over edges of D_src^{-1/2} * x_src) @ W + b
    out_deg = jnp.bincount(src, length=n_nodes).astype(jnp.float32)
    in_deg = jnp.bincount(dst, length=n_nodes).astype(jnp.float32)
    out_deg = jnp.clip(out_deg, 1.0, None)
    in_deg = jnp.clip(in_deg, 1.0, None)
    norm_src = jax.lax.rsqrt(out_deg)[:, None]
    norm_dst = jax.lax.rsqrt(in_deg)[:, None]
    h = x * norm_src
    msg = jnp.take(h, src, axis=0)
    agg = jax.ops.segment_sum(msg, dst, num_segments=n_nodes)
    agg = agg * norm_dst
    return agg @ W + b


def reference(x, edge_index, W1, b1, W2, b2):
    src = edge_index[0]
    dst = edge_index[1]
    h = _graph_conv(x, src, dst, W1, b1, N_NODES)
    h = jax.nn.relu(h)
    # dropout p=0.0 -> identity
    h = _graph_conv(h, src, dst, W2, b2, N_NODES)
    h = jax.nn.sigmoid(h)
    return h

if __name__ == "__main__":
    import jax
    _d = setup_inputs()
    print(jax.jit(kernel)(*tuple(_d.values())))

</pallas_src>

<mosaic_0001>
#map = affine_map<(d0, d1) -> (0, 0)>
#map1 = affine_map<(d0, d1) -> (0, 0, 0)>
module attributes {stable_mosaic.version = 14 : i64} {
  func.func @seg_kernel(%arg0: i32, %arg1: i32, %arg2: memref<10000x128xf32, #tpu.memory_space<hbm>>, %arg3: memref<1600x1x200xi32, #tpu.memory_space<hbm>>, %arg4: memref<1600x1x200xi32, #tpu.memory_space<hbm>>, %arg5: memref<5120x128xf32, #tpu.memory_space<hbm>>, %arg6: memref<2x5120x128xf32, #tpu.memory_space<hbm>>, %arg7: memref<3x1x200xi32, #tpu.memory_space<vmem>>, %arg8: memref<3x1x200xi32, #tpu.memory_space<vmem>>, %arg9: memref<3x1x200xi32, #tpu.memory_space<vmem>>, %arg10: memref<200x128xf32, #tpu.memory_space<vmem>>, %arg11: memref<200x128xf32, #tpu.memory_space<vmem>>, %arg12: memref<200x128xf32, #tpu.memory_space<vmem>>, %arg13: memref<5120x128xf32, #tpu.memory_space<vmem_shared>>, %arg14: memref<!tpu.dma_semaphore, #tpu.memory_space<semaphore_mem>>, %arg15: memref<!tpu.dma_semaphore, #tpu.memory_space<semaphore_mem>>, %arg16: memref<!tpu.dma_semaphore, #tpu.memory_space<semaphore_mem>>, %arg17: memref<!tpu.dma_semaphore, #tpu.memory_space<semaphore_mem>>, %arg18: memref<!tpu.dma_semaphore, #tpu.memory_space<semaphore_mem>>, %arg19: memref<!tpu.dma_semaphore, #tpu.memory_space<semaphore_mem>>) attributes {dimension_semantics = [#tpu.dimension_semantics<core_parallel>, #tpu.dimension_semantics<subcore_parallel>], iteration_bounds = array<i64: 2, 16>, scalar_prefetch = 0 : i64, scratch_operands = 13 : i64, tpu.core_type = #tpu.core_type<sc_vector_subcore>, window_params = [{transform_indices = #map}, {transform_indices = #map1}, {transform_indices = #map1}, {transform_indices = #map}, {transform_indices = #map1}]} {
    %mul3A = arith.constant 5000 : i32
    %mul3A_0 = arith.muli %arg0, %mul3A : i32
    %mul3A_1 = arith.constant 320 : i32
    %mul3A_2 = arith.muli %arg1, %mul3A_1 : i32
    %multiple_of3A = tpu.assume_multiple %mul3A_2, 8 : i32
    "tpu.region"() ({
      %run_scoped3A_82 = tpu.sem_alloc : memref<!tpu.dma_semaphore, #tpu.memory_space<semaphore_mem>>
      %dma_start3A_83 = arith.constant 0 : i32
      %dma_start3A_84 = tpu.memref_slice %arg13[%multiple_of3A, %dma_start3A_83] : memref<5120x128xf32, #tpu.memory_space<vmem_shared>> -> memref<320x128xf32, #tpu.memory_space<vmem_shared>>
      %dma_start3A_85 = arith.constant 0 : i32
      %dma_start3A_86 = tpu.memref_slice %arg5[%multiple_of3A, %dma_start3A_85] : memref<5120x128xf32, #tpu.memory_space<hbm>> -> memref<320x128xf32, #tpu.memory_space<hbm>>
      tpu.enqueue_dma source(%dma_start3A_86 : memref<320x128xf32, #tpu.memory_space<hbm>>) target(%dma_start3A_84 : memref<320x128xf32, #tpu.memory_space<vmem_shared>>) target_semaphore(%run_scoped3A_82 : memref<!tpu.dma_semaphore, #tpu.memory_space<semaphore_mem>>)
      %dma_wait3A_87 = arith.constant 0 : i32
      %dma_wait3A_88 = tpu.memref_slice %arg13[%multiple_of3A, %dma_wait3A_87] : memref<5120x128xf32, #tpu.memory_space<vmem_shared>> -> memref<320x128xf32, #tpu.memory_space<vmem_shared>>
      %dma_wait3A_89 = arith.constant 0 : i32
      %dma_wait3A_90 = tpu.memref_slice %arg5[%multiple_of3A, %dma_wait3A_89] : memref<5120x128xf32, #tpu.memory_space<hbm>> -> memref<320x128xf32, #tpu.memory_space<hbm>>
      tpu.wait_dma2 semaphore(%run_scoped3A_82 : memref<!tpu.dma_semaphore, #tpu.memory_space<semaphore_mem>>) src(%dma_wait3A_90 : memref<320x128xf32, #tpu.memory_space<hbm>>) dst(%dma_wait3A_88 : memref<320x128xf32, #tpu.memory_space<vmem_shared>>)
      tpu.yield
    }) : () -> ()
    %barrier3A = arith.constant 0 : index
    tpu.barrier barrier_id(%barrier3A)
    %add3A = arith.constant 0 : i32
    %add3A_3 = arith.addi %add3A, %arg1 : i32
    %run_scoped3A = arith.constant 0 : i32
    "tpu.region"() ({
      %run_scoped3A_82 = tpu.sem_alloc : memref<!tpu.dma_semaphore, #tpu.memory_space<semaphore_mem>>
      %dma_start3A_83 = arith.constant 0 : i32
      %dma_start3A_84 = arith.constant 0 : i32
      %dma_start3A_85 = tpu.memref_slice %arg7[%run_scoped3A, %dma_start3A_83, %dma_start3A_84] : memref<3x1x200xi32, #tpu.memory_space<vmem>> -> memref<1x1x200xi32, #tpu.memory_space<vmem>>
      %dma_start3A_86 = tpu.memref_squeeze %dma_start3A_85 : memref<1x1x200xi32, #tpu.memory_space<vmem>> -> memref<1x200xi32, #tpu.memory_space<vmem>>
      %dma_start3A_87 = arith.constant 0 : i32
      %dma_start3A_88 = arith.constant 0 : i32
      %dma_start3A_89 = tpu.memref_slice %arg3[%add3A_3, %dma_start3A_87, %dma_start3A_88] : memref<1600x1x200xi32, #tpu.memory_space<hbm>> -> memref<1x1x200xi32, #tpu.memory_space<hbm>>
      %dma_start3A_90 = tpu.memref_squeeze %dma_start3A_89 : memref<1x1x200xi32, #tpu.memory_space<hbm>> -> memref<1x200xi32, #tpu.memory_space<hbm>>
      %dma_start3A_91 = arith.constant 0 : i32
      %dma_start3A_92 = arith.constant 0 : i32
      %dma_start3A_93 = tpu.memref_slice %arg7[%run_scoped3A, %dma_start3A_91, %dma_start3A_92] : memref<3x1x200xi32, #tpu.memory_space<vmem>> -> memref<1x1x200xi32, #tpu.memory_space<vmem>>
      %dma_start3A_94 = tpu.memref_squeeze %dma_start3A_93 : memref<1x1x200xi32, #tpu.memory_space<vmem>> -> memref<1x200xi32, #tpu.memory_space<vmem>>
      %dma_start3A_95 = arith.constant 0 : i32
      %dma_start3A_96 = arith.constant 0 : i32
      %dma_start3A_97 = tpu.memref_slice %arg3[%add3A_3, %dma_start3A_95, %dma_start3A_96] : memref<1600x1x200xi32, #tpu.memory_space<hbm>> -> memref<1x1x200xi32, #tpu.memory_space<hbm>>
      %dma_start3A_98 = tpu.memref_squeeze %dma_start3A_97 : memref<1x1x200xi32, #tpu.memory_space<hbm>> -> memref<1x200xi32, #tpu.memory_space<hbm>>
      tpu.enqueue_dma source(%dma_start3A_98 : memref<1x200xi32, #tpu.memory_space<hbm>>) target(%dma_start3A_94 : memref<1x200xi32, #tpu.memory_space<vmem>>) target_semaphore(%run_scoped3A_82 : memref<!tpu.dma_semaphore, #tpu.memory_space<semaphore_mem>>)
      %dma_wait3A_99 = arith.constant 0 : i32
      %dma_wait3A_100 = arith.constant 0 : i32
      %dma_wait3A_101 = tpu.memref_slice %arg7[%run_scoped3A, %dma_wait3A_99, %dma_wait3A_100] : memref<3x1x200xi32, #tpu.memory_space<vmem>> -> memref<1x1x200xi32, #tpu.memory_space<vmem>>
      %dma_wait3A_102 = tpu.memref_squeeze %dma_wait3A_101 : memref<1x1x200xi32, #tpu.memory_space<vmem>> -> memref<1x200xi32, #tpu.memory_space<vmem>>
      %dma_wait3A_103 = arith.constant 0 : i32
      %dma_wait3A_104 = arith.constant 0 : i32
      %dma_wait3A_105 = tpu.memref_slice %arg3[%add3A_3, %dma_wait3A_103, %dma_wait3A_104] : memref<1600x1x200xi32, #tpu.memory_space<hbm>> -> memref<1x1x200xi32, #tpu.memory_space<hbm>>
      %dma_wait3A_106 = tpu.memref_squeeze %dma_wait3A_105 : memref<1x1x200xi32, #tpu.memory_space<hbm>> -> memref<1x200xi32, #tpu.memory_space<hbm>>
      %dma_wait3A_107 = arith.constant 0 : i32
      %dma_wait3A_108 = arith.constant 0 : i32
      %dma_wait3A_109 = tpu.memref_slice %arg7[%run_scoped3A, %dma_wait3A_107, %dma_wait3A_108] : memref<3x1x200xi32, #tpu.memory_space<vmem>> -> memref<1x1x200xi32, #tpu.memory_space<vmem>>
      %dma_wait3A_110 = tpu.memref_squeeze %dma_wait3A_109 : memref<1x1x200xi32, #tpu.memory_space<vmem>> -> memref<1x200xi32, #tpu.memory_space<vmem>>
      %dma_wait3A_111 = arith.constant 0 : i32
      %dma_wait3A_112 = arith.constant 0 : i32
      %dma_wait3A_113 = tpu.memref_slice %arg3[%add3A_3, %dma_wait3A_111, %dma_wait3A_112] : memref<1600x1x200xi32, #tpu.memory_space<hbm>> -> memref<1x1x200xi32, #tpu.memory_space<hbm>>
      %dma_wait3A_114 = tpu.memref_squeeze %dma_wait3A_113 : memref<1x1x200xi32, #tpu.memory_space<hbm>> -> memref<1x200xi32, #tpu.memory_space<hbm>>
      tpu.wait_dma2 semaphore(%run_scoped3A_82 : memref<!tpu.dma_semaphore, #tpu.memory_space<semaphore_mem>>) src(%dma_wait3A_114 : memref<1x200xi32, #tpu.memory_space<hbm>>) dst(%dma_wait3A_110 : memref<1x200xi32, #tpu.memory_space<vmem>>)
      tpu.yield
    }) : () -> ()
    %run_scoped3A_4 = arith.constant 0 : i32
    "tpu.region"() ({
      %run_scoped3A_82 = tpu.sem_alloc : memref<!tpu.dma_semaphore, #tpu.memory_space<semaphore_mem>>
      %dma_start3A_83 = arith.constant 0 : i32
      %dma_start3A_84 = arith.constant 0 : i32
      %dma_start3A_85 = tpu.memref_slice %arg8[%run_scoped3A_4, %dma_start3A_83, %dma_start3A_84] : memref<3x1x200xi32, #tpu.memory_space<vmem>> -> memref<1x1x200xi32, #tpu.memory_space<vmem>>
      %dma_start3A_86 = tpu.memref_squeeze %dma_start3A_85 : memref<1x1x200xi32, #tpu.memory_space<vmem>> -> memref<1x200xi32, #tpu.memory_space<vmem>>
      %dma_start3A_87 = arith.constant 0 : i32
      %dma_start3A_88 = arith.constant 0 : i32
      %dma_start3A_89 = tpu.memref_slice %arg4[%add3A_3, %dma_start3A_87, %dma_start3A_88] : memref<1600x1x200xi32, #tpu.memory_space<hbm>> -> memref<1x1x200xi32, #tpu.memory_space<hbm>>
      %dma_start3A_90 = tpu.memref_squeeze %dma_start3A_89 : memref<1x1x200xi32, #tpu.memory_space<hbm>> -> memref<1x200xi32, #tpu.memory_space<hbm>>
      %dma_start3A_91 = arith.constant 0 : i32
      %dma_start3A_92 = arith.constant 0 : i32
      %dma_start3A_93 = tpu.memref_slice %arg8[%run_scoped3A_4, %dma_start3A_91, %dma_start3A_92] : memref<3x1x200xi32, #tpu.memory_space<vmem>> -> memref<1x1x200xi32, #tpu.memory_space<vmem>>
      %dma_start3A_94 = tpu.memref_squeeze %dma_start3A_93 : memref<1x1x200xi32, #tpu.memory_space<vmem>> -> memref<1x200xi32, #tpu.memory_space<vmem>>
      %dma_start3A_95 = arith.constant 0 : i32
      %dma_start3A_96 = arith.constant 0 : i32
      %dma_start3A_97 = tpu.memref_slice %arg4[%add3A_3, %dma_start3A_95, %dma_start3A_96] : memref<1600x1x200xi32, #tpu.memory_space<hbm>> -> memref<1x1x200xi32, #tpu.memory_space<hbm>>
      %dma_start3A_98 = tpu.memref_squeeze %dma_start3A_97 : memref<1x1x200xi32, #tpu.memory_space<hbm>> -> memref<1x200xi32, #tpu.memory_space<hbm>>
      tpu.enqueue_dma source(%dma_start3A_98 : memref<1x200xi32, #tpu.memory_space<hbm>>) target(%dma_start3A_94 : memref<1x200xi32, #tpu.memory_space<vmem>>) target_semaphore(%run_scoped3A_82 : memref<!tpu.dma_semaphore, #tpu.memory_space<semaphore_mem>>)
      %dma_wait3A_99 = arith.constant 0 : i32
      %dma_wait3A_100 = arith.constant 0 : i32
      %dma_wait3A_101 = tpu.memref_slice %arg8[%run_scoped3A_4, %dma_wait3A_99, %dma_wait3A_100] : memref<3x1x200xi32, #tpu.memory_space<vmem>> -> memref<1x1x200xi32, #tpu.memory_space<vmem>>
      %dma_wait3A_102 = tpu.memref_squeeze %dma_wait3A_101 : memref<1x1x200xi32, #tpu.memory_space<vmem>> -> memref<1x200xi32, #tpu.memory_space<vmem>>
      %dma_wait3A_103 = arith.constant 0 : i32
      %dma_wait3A_104 = arith.constant 0 : i32
      %dma_wait3A_105 = tpu.memref_slice %arg4[%add3A_3, %dma_wait3A_103, %dma_wait3A_104] : memref<1600x1x200xi32, #tpu.memory_space<hbm>> -> memref<1x1x200xi32, #tpu.memory_space<hbm>>
      %dma_wait3A_106 = tpu.memref_squeeze %dma_wait3A_105 : memref<1x1x200xi32, #tpu.memory_space<hbm>> -> memref<1x200xi32, #tpu.memory_space<hbm>>
      %dma_wait3A_107 = arith.constant 0 : i32
      %dma_wait3A_108 = arith.constant 0 : i32
      %dma_wait3A_109 = tpu.memref_slice %arg8[%run_scoped3A_4, %dma_wait3A_107, %dma_wait3A_108] : memref<3x1x200xi32, #tpu.memory_space<vmem>> -> memref<1x1x200xi32, #tpu.memory_space<vmem>>
      %dma_wait3A_110 = tpu.memref_squeeze %dma_wait3A_109 : memref<1x1x200xi32, #tpu.memory_space<vmem>> -> memref<1x200xi32, #tpu.memory_space<vmem>>
      %dma_wait3A_111 = arith.constant 0 : i32
      %dma_wait3A_112 = arith.constant 0 : i32
      %dma_wait3A_113 = tpu.memref_slice %arg4[%add3A_3, %dma_wait3A_111, %dma_wait3A_112] : memref<1600x1x200xi32, #tpu.memory_space<hbm>> -> memref<1x1x200xi32, #tpu.memory_space<hbm>>
      %dma_wait3A_114 = tpu.memref_squeeze %dma_wait3A_113 : memref<1x1x200xi32, #tpu.memory_space<hbm>> -> memref<1x200xi32, #tpu.memory_space<hbm>>
      tpu.wait_dma2 semaphore(%run_scoped3A_82 : memref<!tpu.dma_semaphore, #tpu.memory_space<semaphore_mem>>) src(%dma_wait3A_114 : memref<1x200xi32, #tpu.memory_space<hbm>>) dst(%dma_wait3A_110 : memref<1x200xi32, #tpu.memory_space<vmem>>)
      tpu.yield
    }) : () -> ()
    %scan3A = arith.constant 0 : i32
    %scan3A_5 = arith.constant 13 : i32
    %scan3A_6 = arith.addi %scan3A, %scan3A_5 : i32
    %scan3A_7 = arith.constant 1 : i32
    scf.for %scan3A_82 = %scan3A to %scan3A_6 step %scan3A_7  : i32 {
      %mul3A_83 = arith.constant 16 : i32
      %mul3A_84 = arith.muli %scan3A_82, %mul3A_83 : i32
      %add3A_85 = arith.constant 0 : i32
      %add3A_86 = arith.addi %add3A_85, %mul3A_84 : i32
      %get3A = arith.constant 0 : i32
      %get3A_87 = arith.constant 0 : i32
      %get3A_88 = arith.index_cast %get3A : i32 to index
      %get3A_89 = arith.index_cast %get3A_87 : i32 to index
      %get3A_90 = arith.index_cast %add3A_86 : i32 to index
      %get3A_91 = tpu.vector_load %arg8[%get3A_88, %get3A_89, %get3A_90] {strides = array<i32>} : memref<3x1x200xi32, #tpu.memory_space<vmem>>, vector<16xi32>,
      %sub3A = vector.broadcast %mul3A_0 : i32 to vector<16xi32>
      %sub3A_92 = arith.subi %get3A_91, %sub3A : vector<16xi32>
      %ge3A = arith.constant 0 : i32
      %ge3A_93 = vector.broadcast %ge3A : i32 to vector<16xi32>
      %ge3A_94 = arith.cmpi sge, %sub3A_92, %ge3A_93 : vector<16xi32>
      %lt3A = arith.constant 5000 : i32
      %lt3A_95 = vector.broadcast %lt3A : i32 to vector<16xi32>
      %lt3A_96 = arith.cmpi slt, %sub3A_92, %lt3A_95 : vector<16xi32>
      %and3A = arith.andi %ge3A_94, %lt3A_96 : vector<16xi1>
      %jit3A = arith.constant 5000 : i32
      %broadcast_in_dim3A = vector.broadcast %jit3A : i32 to vector<16xi32>
      %select_n3A = arith.select %and3A, %sub3A_92, %broadcast_in_dim3A : vector<16xi1>, vector<16xi32>
      %swap3A = arith.constant 0 : i32
      %swap3A_97 = arith.constant 0 : i32
      %swap3A_98 = arith.index_cast %swap3A : i32 to index
      %swap3A_99 = arith.index_cast %swap3A_97 : i32 to index
      %swap3A_100 = arith.index_cast %add3A_86 : i32 to index
      %swap3A_101 = tpu.vector_load %arg9[%swap3A_98, %swap3A_99, %swap3A_100] {strides = array<i32>} : memref<3x1x200xi32, #tpu.memory_space<vmem>>, vector<16xi32>,
      tpu.vector_store %arg9[%swap3A_98, %swap3A_99, %swap3A_100], %select_n3A {strides = array<i32>} : memref<3x1x200xi32, #tpu.memory_space<vmem>>, vector<16xi32>,
    }
    %scan3A_8 = arith.constant 13 : i32
    %dma_start3A = arith.constant 0 : i32
    %dma_start3A_9 = arith.constant 0 : i32
    %dma_start3A_10 = arith.constant 0 : i32
    %dma_start3A_11 = arith.constant 0 : i32
    %dma_start3A_12 = tpu.memref_slice %arg7[%dma_start3A, %dma_start3A_10, %dma_start3A_11] : memref<3x1x200xi32, #tpu.memory_space<vmem>> -> memref<1x1x200xi32, #tpu.memory_space<vmem>>
    %dma_start3A_13 = tpu.memref_squeeze %dma_start3A_12 : memref<1x1x200xi32, #tpu.memory_space<vmem>> -> memref<1x200xi32, #tpu.memory_space<vmem>>
    %dma_start3A_14 = arith.constant 0 : i32
    %dma_start3A_15 = tpu.memref_slice %dma_start3A_13[%dma_start3A_9, %dma_start3A_14] : memref<1x200xi32, #tpu.memory_space<vmem>> -> memref<1x200xi32, #tpu.memory_space<vmem>>
    %dma_start3A_16 = tpu.memref_squeeze %dma_start3A_15 : memref<1x200xi32, #tpu.memory_space<vmem>> -> memref<200xi32, #tpu.memory_space<vmem>>
    %dma_start3A_17 = arith.constant 0 : i32
    %dma_start3A_18 = arith.constant 0 : i32
    %dma_start3A_19 = tpu.memref_slice %arg2[%dma_start3A_17, %dma_start3A_18] : memref<10000x128xf32, #tpu.memory_space<hbm>> -> memref<10000x128xf32, #tpu.memory_space<hbm>>
    tpu.enqueue_indirect_dma source(%dma_start3A_19 : memref<10000x128xf32, #tpu.memory_space<hbm>>) target(%arg10 : memref<200x128xf32, #tpu.memory_space<vmem>>) offsets(%dma_start3A_16 : memref<200xi32, #tpu.memory_space<vmem>>) semaphore(%arg14 : memref<!tpu.dma_semaphore, #tpu.memory_space<semaphore_mem>>)
    %add3A_20 = arith.constant 16 : i32
    %add3A_21 = arith.addi %add3A_20, %arg1 : i32
    %run_scoped3A_22 = arith.constant 1 : i32
    "tpu.region"() ({
      %run_scoped3A_82 = tpu.sem_alloc : memref<!tpu.dma_semaphore, #tpu.memory_space<semaphore_mem>>
      %dma_start3A_83 = arith.constant 0 : i32
      %dma_start3A_84 = arith.constant 0 : i32
      %dma_start3A_85 = tpu.memref_slice %arg7[%run_scoped3A_22, %dma_start3A_83, %dma_start3A_84] : memref<3x1x200xi32, #tpu.memory_space<vmem>> -> memref<1x1x200xi32, #tpu.memory_space<vmem>>
      %dma_start3A_86 = tpu.memref_squeeze %dma_start3A_85 : memref<1x1x200xi32, #tpu.memory_space<vmem>> -> memref<1x200xi32, #tpu.memory_space<vmem>>
      %dma_start3A_87 = arith.constant 0 : i32
      %dma_start3A_88 = arith.constant 0 : i32
      %dma_start3A_89 = tpu.memref_slice %arg3[%add3A_21, %dma_start3A_87, %dma_start3A_88] : memref<1600x1x200xi32, #tpu.memory_space<hbm>> -> memref<1x1x200xi32, #tpu.memory_space<hbm>>
      %dma_start3A_90 = tpu.memref_squeeze %dma_start3A_89 : memref<1x1x200xi32, #tpu.memory_space<hbm>> -> memref<1x200xi32, #tpu.memory_space<hbm>>
      %dma_start3A_91 = arith.constant 0 : i32
      %dma_start3A_92 = arith.constant 0 : i32
      %dma_start3A_93 = tpu.memref_slice %arg7[%run_scoped3A_22, %dma_start3A_91, %dma_start3A_92] : memref<3x1x200xi32, #tpu.memory_space<vmem>> -> memref<1x1x200xi32, #tpu.memory_space<vmem>>
      %dma_start3A_94 = tpu.memref_squeeze %dma_start3A_93 : memref<1x1x200xi32, #tpu.memory_space<vmem>> -> memref<1x200xi32, #tpu.memory_space<vmem>>
      %dma_start3A_95 = arith.constant 0 : i32
      %dma_start3A_96 = arith.constant 0 : i32
      %dma_start3A_97 = tpu.memref_slice %arg3[%add3A_21, %dma_start3A_95, %dma_start3A_96] : memref<1600x1x200xi32, #tpu.memory_space<hbm>> -> memref<1x1x200xi32, #tpu.memory_space<hbm>>
      %dma_start3A_98 = tpu.memref_squeeze %dma_start3A_97 : memref<1x1x200xi32, #tpu.memory_space<hbm>> -> memref<1x200xi32, #tpu.memory_space<hbm>>
      tpu.enqueue_dma source(%dma_start3A_98 : memref<1x200xi32, #tpu.memory_space<hbm>>) target(%dma_start3A_94 : memref<1x200xi32, #tpu.memory_space<vmem>>) target_semaphore(%run_scoped3A_82 : memref<!tpu.dma_semaphore, #tpu.memory_space<semaphore_mem>>)
      %dma_wait3A_99 = arith.constant 0 : i32
      %dma_wait3A_100 = arith.constant 0 : i32
      %dma_wait3A_101 = tpu.memref_slice %arg7[%run_scoped3A_22, %dma_wait3A_99, %dma_wait3A_100] : memref<3x1x200xi32, #tpu.memory_space<vmem>> -> memref<1x1x200xi32, #tpu.memory_space<vmem>>
      %dma_wait3A_102 = tpu.memref_squeeze %dma_wait3A_101 : memref<1x1x200xi32, #tpu.memory_space<vmem>> -> memref<1x200xi32, #tpu.memory_space<vmem>>
      %dma_wait3A_103 = arith.constant 0 : i32
      %dma_wait3A_104 = arith.constant 0 : i32
      %dma_wait3A_105 = tpu.memref_slice %arg3[%add3A_21, %dma_wait3A_103, %dma_wait3A_104] : memref<1600x1x200xi32, #tpu.memory_space<hbm>> -> memref<1x1x200xi32, #tpu.memory_space<hbm>>
      %dma_wait3A_106 = tpu.memref_squeeze %dma_wait3A_105 : memref<1x1x200xi32, #tpu.memory_space<hbm>> -> memref<1x200xi32, #tpu.memory_space<hbm>>
      %dma_wait3A_107 = arith.constant 0 : i32
      %dma_wait3A_108 = arith.constant 0 : i32
      %dma_wait3A_109 = tpu.memref_slice %arg7[%run_scoped3A_22, %dma_wait3A_107, %dma_wait3A_108] : memref<3x1x200xi32, #tpu.memory_space<vmem>> -> memref<1x1x200xi32, #tpu.memory_space<vmem>>
      %dma_wait3A_110 = tpu.memref_squeeze %dma_wait3A_109 : memref<1x1x200xi32, #tpu.memory_space<vmem>> -> memref<1x200xi32, #tpu.memory_space<vmem>>
      %dma_wait3A_111 = arith.constant 0 : i32
      %dma_wait3A_112 = arith.constant 0 : i32
      %dma_wait3A_113 = tpu.memref_slice %arg3[%add3A_21, %dma_wait3A_111, %dma_wait3A_112] : memref<1600x1x200xi32, #tpu.memory_space<hbm>> -> memref<1x1x200xi32, #tpu.memory_space<hbm>>
      %dma_wait3A_114 = tpu.memref_squeeze %dma_wait3A_113 : memref<1x1x200xi32, #tpu.memory_space<hbm>> -> memref<1x200xi32, #tpu.memory_space<hbm>>
      tpu.wait_dma2 semaphore(%run_scoped3A_82 : memref<!tpu.dma_semaphore, #tpu.memory_space<semaphore_mem>>) src(%dma_wait3A_114 : memref<1x200xi32, #tpu.memory_space<hbm>>) dst(%dma_wait3A_110 : memref<1x200xi32, #tpu.memory_space<vmem>>)
      tpu.yield
    }) : () -> ()
    %run_scoped3A_23 = arith.constant 1 : i32
    "tpu.region"() ({
      %run_scoped3A_82 = tpu.sem_alloc : memref<!tpu.dma_semaphore, #tpu.memory_space<semaphore_mem>>
      %dma_start3A_83 = arith.constant 0 : i32
      %dma_start3A_84 = arith.constant 0 : i32
      %dma_start3A_85 = tpu.memref_slice %arg8[%run_scoped3A_23, %dma_start3A_83, %dma_start3A_84] : memref<3x1x200xi32, #tpu.memory_space<vmem>> -> memref<1x1x200xi32, #tpu.memory_space<vmem>>
      %dma_start3A_86 = tpu.memref_squeeze %dma_start3A_85 : memref<1x1x200xi32, #tpu.memory_space<vmem>> -> memref<1x200xi32, #tpu.memory_space<vmem>>
      %dma_start3A_87 = arith.constant 0 : i32
      %dma_start3A_88 = arith.constant 0 : i32
      %dma_start3A_89 = tpu.memref_slice %arg4[%add3A_21, %dma_start3A_87, %dma_start3A_88] : memref<1600x1x200xi32, #tpu.memory_space<hbm>> -> memref<1x1x200xi32, #tpu.memory_space<hbm>>
      %dma_start3A_90 = tpu.memref_squeeze %dma_start3A_89 : memref<1x1x200xi32, #tpu.memory_space<hbm>> -> memref<1x200xi32, #tpu.memory_space<hbm>>
      %dma_start3A_91 = arith.constant 0 : i32
      %dma_start3A_92 = arith.constant 0 : i32
      %dma_start3A_93 = tpu.memref_slice %arg8[%run_scoped3A_23, %dma_start3A_91, %dma_start3A_92] : memref<3x1x200xi32, #tpu.memory_space<vmem>> -> memref<1x1x200xi32, #tpu.memory_space<vmem>>
      %dma_start3A_94 = tpu.memref_squeeze %dma_start3A_93 : memref<1x1x200xi32, #tpu.memory_space<vmem>> -> memref<1x200xi32, #tpu.memory_space<vmem>>
      %dma_start3A_95 = arith.constant 0 : i32
      %dma_start3A_96 = arith.constant 0 : i32
      %dma_start3A_97 = tpu.memref_slice %arg4[%add3A_21, %dma_start3A_95, %dma_start3A_96] : memref<1600x1x200xi32, #tpu.memory_space<hbm>> -> memref<1x1x200xi32, #tpu.memory_space<hbm>>
      %dma_start3A_98 = tpu.memref_squeeze %dma_start3A_97 : memref<1x1x200xi32, #tpu.memory_space<hbm>> -> memref<1x200xi32, #tpu.memory_space<hbm>>
      tpu.enqueue_dma source(%dma_start3A_98 : memref<1x200xi32, #tpu.memory_space<hbm>>) target(%dma_start3A_94 : memref<1x200xi32, #tpu.memory_space<vmem>>) target_semaphore(%run_scoped3A_82 : memref<!tpu.dma_semaphore, #tpu.memory_space<semaphore_mem>>)
      %dma_wait3A_99 = arith.constant 0 : i32
      %dma_wait3A_100 = arith.constant 0 : i32
      %dma_wait3A_101 = tpu.memref_slice %arg8[%run_scoped3A_23, %dma_wait3A_99, %dma_wait3A_100] : memref<3x1x200xi32, #tpu.memory_space<vmem>> -> memref<1x1x200xi32, #tpu.memory_space<vmem>>
      %dma_wait3A_102 = tpu.memref_squeeze %dma_wait3A_101 : memref<1x1x200xi32, #tpu.memory_space<vmem>> -> memref<1x200xi32, #tpu.memory_space<vmem>>
      %dma_wait3A_103 = arith.constant 0 : i32
      %dma_wait3A_104 = arith.constant 0 : i32
      %dma_wait3A_105 = tpu.memref_slice %arg4[%add3A_21, %dma_wait3A_103, %dma_wait3A_104] : memref<1600x1x200xi32, #tpu.memory_space<hbm>> -> memref<1x1x200xi32, #tpu.memory_space<hbm>>
      %dma_wait3A_106 = tpu.memref_squeeze %dma_wait3A_105 : memref<1x1x200xi32, #tpu.memory_space<hbm>> -> memref<1x200xi32, #tpu.memory_space<hbm>>
      %dma_wait3A_107 = arith.constant 0 : i32
      %dma_wait3A_108 = arith.constant 0 : i32
      %dma_wait3A_109 = tpu.memref_slice %arg8[%run_scoped3A_23, %dma_wait3A_107, %dma_wait3A_108] : memref<3x1x200xi32, #tpu.memory_space<vmem>> -> memref<1x1x200xi32, #tpu.memory_space<vmem>>
      %dma_wait3A_110 = tpu.memref_squeeze %dma_wait3A_109 : memref<1x1x200xi32, #tpu.memory_space<vmem>> -> memref<1x200xi32, #tpu.memory_space<vmem>>
      %dma_wait3A_111 = arith.constant 0 : i32
      %dma_wait3A_112 = arith.constant 0 : i32
      %dma_wait3A_113 = tpu.memref_slice %arg4[%add3A_21, %dma_wait3A_111, %dma_wait3A_112] : memref<1600x1x200xi32, #tpu.memory_space<hbm>> -> memref<1x1x200xi32, #tpu.memory_space<hbm>>
      %dma_wait3A_114 = tpu.memref_squeeze %dma_wait3A_113 : memref<1x1x200xi32, #tpu.memory_space<hbm>> -> memref<1x200xi32, #tpu.memory_space<hbm>>
      tpu.wait_dma2 semaphore(%run_scoped3A_82 : memref<!tpu.dma_semaphore, #tpu.memory_space<semaphore_mem>>) src(%dma_wait3A_114 : memref<1x200xi32, #tpu.memory_space<hbm>>) dst(%dma_wait3A_110 : memref<1x200xi32, #tpu.memory_space<vmem>>)
      tpu.yield
    }) : () -> ()
    %scan3A_24 = arith.constant 0 : i32
    %scan3A_25 = arith.constant 13 : i32
    %scan3A_26 = arith.addi %scan3A_24, %scan3A_25 : i32
    %scan3A_27 = arith.constant 1 : i32
    scf.for %scan3A_82 = %scan3A_24 to %scan3A_26 step %scan3A_27  : i32 {
      %mul3A_83 = arith.constant 16 : i32
      %mul3A_84 = arith.muli %scan3A_82, %mul3A_83 : i32
      %add3A_85 = arith.constant 0 : i32
      %add3A_86 = arith.addi %add3A_85, %mul3A_84 : i32
      %get3A = arith.constant 1 : i32
      %get3A_87 = arith.constant 0 : i32
      %get3A_88 = arith.index_cast %get3A : i32 to index
      %get3A_89 = arith.index_cast %get3A_87 : i32 to index
      %get3A_90 = arith.index_cast %add3A_86 : i32 to index
      %get3A_91 = tpu.vector_load %arg8[%get3A_88, %get3A_89, %get3A_90] {strides = array<i32>} : memref<3x1x200xi32, #tpu.memory_space<vmem>>, vector<16xi32>,
      %sub3A = vector.broadcast %mul3A_0 : i32 to vector<16xi32>
      %sub3A_92 = arith.subi %get3A_91, %sub3A : vector<16xi32>
      %ge3A = arith.constant 0 : i32
      %ge3A_93 = vector.broadcast %ge3A : i32 to vector<16xi32>
      %ge3A_94 = arith.cmpi sge, %sub3A_92, %ge3A_93 : vector<16xi32>
      %lt3A = arith.constant 5000 : i32
      %lt3A_95 = vector.broadcast %lt3A : i32 to vector<16xi32>
      %lt3A_96 = arith.cmpi slt, %sub3A_92, %lt3A_95 : vector<16xi32>
      %and3A = arith.andi %ge3A_94, %lt3A_96 : vector<16xi1>
      %jit3A = arith.constant 5000 : i32
      %broadcast_in_dim3A = vector.broadcast %jit3A : i32 to vector<16xi32>
      %select_n3A = arith.select %and3A, %sub3A_92, %broadcast_in_dim3A : vector<16xi1>, vector<16xi32>
      %swap3A = arith.constant 1 : i32
      %swap3A_97 = arith.constant 0 : i32
      %swap3A_98 = arith.index_cast %swap3A : i32 to index
      %swap3A_99 = arith.index_cast %swap3A_97 : i32 to index
      %swap3A_100 = arith.index_cast %add3A_86 : i32 to index
      %swap3A_101 = tpu.vector_load %arg9[%swap3A_98, %swap3A_99, %swap3A_100] {strides = array<i32>} : memref<3x1x200xi32, #tpu.memory_space<vmem>>, vector<16xi32>,
      tpu.vector_store %arg9[%swap3A_98, %swap3A_99, %swap3A_100], %select_n3A {strides = array<i32>} : memref<3x1x200xi32, #tpu.memory_space<vmem>>, vector<16xi32>,
    }
    %scan3A_28 = arith.constant 13 : i32
    %dma_start3A_29 = arith.constant 1 : i32
    %dma_start3A_30 = arith.constant 0 : i32
    %dma_start3A_31 = arith.constant 0 : i32
    %dma_start3A_32 = arith.constant 0 : i32
    %dma_start3A_33 = tpu.memref_slice %arg7[%dma_start3A_29, %dma_start3A_31, %dma_start3A_32] : memref<3x1x200xi32, #tpu.memory_space<vmem>> -> memref<1x1x200xi32, #tpu.memory_space<vmem>>
    %dma_start3A_34 = tpu.memref_squeeze %dma_start3A_33 : memref<1x1x200xi32, #tpu.memory_space<vmem>> -> memref<1x200xi32, #tpu.memory_space<vmem>>
    %dma_start3A_35 = arith.constant 0 : i32
    %dma_start3A_36 = tpu.memref_slice %dma_start3A_34[%dma_start3A_30, %dma_start3A_35] : memref<1x200xi32, #tpu.memory_space<vmem>> -> memref<1x200xi32, #tpu.memory_space<vmem>>
    %dma_start3A_37 = tpu.memref_squeeze %dma_start3A_36 : memref<1x200xi32, #tpu.memory_space<vmem>> -> memref<200xi32, #tpu.memory_space<vmem>>
    %dma_start3A_38 = arith.constant 0 : i32
    %dma_start3A_39 = arith.constant 0 : i32
    %dma_start3A_40 = tpu.memref_slice %arg2[%dma_start3A_38, %dma_start3A_39] : memref<10000x128xf32, #tpu.memory_space<hbm>> -> memref<10000x128xf32, #tpu.memory_space<hbm>>
    tpu.enqueue_indirect_dma source(%dma_start3A_40 : memref<10000x128xf32, #tpu.memory_space<hbm>>) target(%arg11 : memref<200x128xf32, #tpu.memory_space<vmem>>) offsets(%dma_start3A_37 : memref<200xi32, #tpu.memory_space<vmem>>) semaphore(%arg15 : memref<!tpu.dma_semaphore, #tpu.memory_space<semaphore_mem>>)
    %scan3A_41 = arith.constant 0 : i32
    %scan3A_42 = arith.constant 34 : i32
    %scan3A_43 = arith.addi %scan3A_41, %scan3A_42 : i32
    %scan3A_44 = arith.constant 1 : i32
    scf.for %scan3A_82 = %scan3A_41 to %scan3A_43 step %scan3A_44  : i32 {
      %mul3A_83 = arith.constant 3 : i32
      %mul3A_84 = arith.muli %scan3A_82, %mul3A_83 : i32
      %add3A_85 = arith.constant 0 : i32
      %add3A_86 = arith.addi %add3A_85, %mul3A_84 : i32
      %add3A_87 = arith.constant 0 : i32
      %add3A_88 = arith.addi %add3A_86, %add3A_87 : i32
      %lt3A = arith.constant 100 : i32
      %lt3A_89 = arith.cmpi slt, %add3A_88, %lt3A : i32
      %convert_element_type3A = arith.extui %lt3A_89 : i1 to i32
      %cond3A = arith.constant 0 : i32
      %cond3A_90 = arith.cmpi ne, %convert_element_type3A, %cond3A : i32
      scf.if %cond3A_90 {
        %add3A_105 = arith.constant 2 : i32
        %add3A_106 = arith.addi %add3A_88, %add3A_105 : i32
        %lt3A_107 = arith.constant 100 : i32
        %lt3A_108 = arith.cmpi slt, %add3A_106, %lt3A_107 : i32
        %convert_element_type3A_109 = arith.extui %lt3A_108 : i1 to i32
        %cond3A_110 = arith.constant 0 : i32
        %cond3A_111 = arith.cmpi ne, %convert_element_type3A_109, %cond3A_110 : i32
        scf.if %cond3A_111 {
          %ge3A = arith.constant 1 : i32
          %ge3A_136 = arith.cmpi sge, %add3A_88, %ge3A : i32
          %convert_element_type3A_137 = arith.extui %ge3A_136 : i1 to i32
          %cond3A_138 = arith.constant 0 : i32
          %cond3A_139 = arith.cmpi ne, %convert_element_type3A_137, %cond3A_138 : i32
          scf.if %cond3A_139 {
            %dma_wait3A_164 = arith.constant 2 : i32
            %dma_wait3A_165 = arith.constant 0 : i32
            %dma_wait3A_166 = arith.constant 0 : i32
            %dma_wait3A_167 = arith.constant 0 : i32
            %dma_wait3A_168 = tpu.memref_slice %arg9[%dma_wait3A_164, %dma_wait3A_166, %dma_wait3A_167] : memref<3x1x200xi32, #tpu.memory_space<vmem>> -> memref<1x1x200xi32, #tpu.memory_space<vmem>>
            %dma_wait3A_169 = tpu.memref_squeeze %dma_wait3A_168 : memref<1x1x200xi32, #tpu.memory_space<vmem>> -> memref<1x200xi32, #tpu.memory_space<vmem>>
            %dma_wait3A_170 = arith.constant 0 : i32
            %dma_wait3A_171 = tpu.memref_slice %dma_wait3A_169[%dma_wait3A_165, %dma_wait3A_170] : memref<1x200xi32, #tpu.memory_space<vmem>> -> memref<1x200xi32, #tpu.memory_space<vmem>>
            %dma_wait3A_172 = tpu.memref_squeeze %dma_wait3A_171 : memref<1x200xi32, #tpu.memory_space<vmem>> -> memref<200xi32, #tpu.memory_space<vmem>>
            %dma_wait3A_173 = arith.constant 0 : i32
            %dma_wait3A_174 = arith.constant 0 : i32
            %dma_wait3A_175 = tpu.memref_slice %arg13[%dma_wait3A_173, %dma_wait3A_174] : memref<5120x128xf32, #tpu.memory_space<vmem_shared>> -> memref<5120x128xf32, #tpu.memory_space<vmem_shared>>
            tpu.wait_indirect_dma semaphore(%arg19 : memref<!tpu.dma_semaphore, #tpu.memory_space<semaphore_mem>>) src(%arg12 : memref<200x128xf32, #tpu.memory_space<vmem>>) dst(%dma_wait3A_175 : memref<5120x128xf32, #tpu.memory_space<vmem_shared>>)
          } else {
          }
          %add3A_140 = arith.constant 2 : i32
          %add3A_141 = arith.addi %add3A_88, %add3A_140 : i32
          %mul3A_142 = arith.constant 16 : i32
          %mul3A_143 = arith.muli %add3A_141, %mul3A_142 : i32
          %add3A_144 = arith.addi %mul3A_143, %arg1 : i32
          %run_scoped3A_145 = arith.constant 2 : i32
          "tpu.region"() ({
            %run_scoped3A_164 = tpu.sem_alloc : memref<!tpu.dma_semaphore, #tpu.memory_space<semaphore_mem>>
            %dma_start3A_165 = arith.constant 0 : i32
            %dma_start3A_166 = arith.constant 0 : i32
            %dma_start3A_167 = tpu.memref_slice %arg7[%run_scoped3A_145, %dma_start3A_165, %dma_start3A_166] : memref<3x1x200xi32, #tpu.memory_space<vmem>> -> memref<1x1x200xi32, #tpu.memory_space<vmem>>
            %dma_start3A_168 = tpu.memref_squeeze %dma_start3A_167 : memref<1x1x200xi32, #tpu.memory_space<vmem>> -> memref<1x200xi32, #tpu.memory_space<vmem>>
            %dma_start3A_169 = arith.constant 0 : i32
            %dma_start3A_170 = arith.constant 0 : i32
            %dma_start3A_171 = tpu.memref_slice %arg3[%add3A_144, %dma_start3A_169, %dma_start3A_170] : memref<1600x1x200xi32, #tpu.memory_space<hbm>> -> memref<1x1x200xi32, #tpu.memory_space<hbm>>
            %dma_start3A_172 = tpu.memref_squeeze %dma_start3A_171 : memref<1x1x200xi32, #tpu.memory_space<hbm>> -> memref<1x200xi32, #tpu.memory_space<hbm>>
            %dma_start3A_173 = arith.constant 0 : i32
            %dma_start3A_174 = arith.constant 0 : i32
            %dma_start3A_175 = tpu.memref_slice %arg7[%run_scoped3A_145, %dma_start3A_173, %dma_start3A_174] : memref<3x1x200xi32, #tpu.memory_space<vmem>> -> memref<1x1x200xi32, #tpu.memory_space<vmem>>
            %dma_start3A_176 = tpu.memref_squeeze %dma_start3A_175 : memref<1x1x200xi32, #tpu.memory_space<vmem>> -> memref<1x200xi32, #tpu.memory_space<vmem>>
            %dma_start3A_177 = arith.constant 0 : i32
            %dma_start3A_178 = arith.constant 0 : i32
            %dma_start3A_179 = tpu.memref_slice %arg3[%add3A_144, %dma_start3A_177, %dma_start3A_178] : memref<1600x1x200xi32, #tpu.memory_space<hbm>> -> memref<1x1x200xi32, #tpu.memory_space<hbm>>
            %dma_start3A_180 = tpu.memref_squeeze %dma_start3A_179 : memref<1x1x200xi32, #tpu.memory_space<hbm>> -> memref<1x200xi32, #tpu.memory_space<hbm>>
            tpu.enqueue_dma source(%dma_start3A_180 : memref<1x200xi32, #tpu.memory_space<hbm>>) target(%dma_start3A_176 : memref<1x200xi32, #tpu.memory_space<vmem>>) target_semaphore(%run_scoped3A_164 : memref<!tpu.dma_semaphore, #tpu.memory_space<semaphore_mem>>)
            %dma_wait3A_181 = arith.constant 0 : i32
            %dma_wait3A_182 = arith.constant 0 : i32
            %dma_wait3A_183 = tpu.memref_slice %arg7[%run_scoped3A_145, %dma_wait3A_181, %dma_wait3A_182] : memref<3x1x200xi32, #tpu.memory_space<vmem>> -> memref<1x1x200xi32, #tpu.memory_space<vmem>>
            %dma_wait3A_184 = tpu.memref_squeeze %dma_wait3A_183 : memref<1x1x200xi32, #tpu.memory_space<vmem>> -> memref<1x200xi32, #tpu.memory_space<vmem>>
            %dma_wait3A_185 = arith.constant 0 : i32
            %dma_wait3A_186 = arith.constant 0 : i32
            %dma_wait3A_187 = tpu.memref_slice %arg3[%add3A_144, %dma_wait3A_185, %dma_wait3A_186] : memref<1600x1x200xi32, #tpu.memory_space<hbm>> -> memref<1x1x200xi32, #tpu.memory_space<hbm>>
            %dma_wait3A_188 = tpu.memref_squeeze %dma_wait3A_187 : memref<1x1x200xi32, #tpu.memory_space<hbm>> -> memref<1x200xi32, #tpu.memory_space<hbm>>
            %dma_wait3A_189 = arith.constant 0 : i32
            %dma_wait3A_190 = arith.constant 0 : i32
            %dma_wait3A_191 = tpu.memref_slice %arg7[%run_scoped3A_145, %dma_wait3A_189, %dma_wait3A_190] : memref<3x1x200xi32, #tpu.memory_space<vmem>> -> memref<1x1x200xi32, #tpu.memory_space<vmem>>
            %dma_wait3A_192 = tpu.memref_squeeze %dma_wait3A_191 : memref<1x1x200xi32, #tpu.memory_space<vmem>> -> memref<1x200xi32, #tpu.memory_space<vmem>>
            %dma_wait3A_193 = arith.constant 0 : i32
            %dma_wait3A_194 = arith.constant 0 : i32
            %dma_wait3A_195 = tpu.memref_slice %arg3[%add3A_144, %dma_wait3A_193, %dma_wait3A_194] : memref<1600x1x200xi32, #tpu.memory_space<hbm>> -> memref<1x1x200xi32, #tpu.memory_space<hbm>>
            %dma_wait3A_196 = tpu.memref_squeeze %dma_wait3A_195 : memref<1x1x200xi32, #tpu.memory_space<hbm>> -> memref<1x200xi32, #tpu.memory_space<hbm>>
            tpu.wait_dma2 semaphore(%run_scoped3A_164 : memref<!tpu.dma_semaphore, #tpu.memory_space<semaphore_mem>>) src(%dma_wait3A_196 : memref<1x200xi32, #tpu.memory_space<hbm>>) dst(%dma_wait3A_192 : memref<1x200xi32, #tpu.memory_space<vmem>>)
            tpu.yield
          }) : () -> ()
          %run_scoped3A_146 = arith.constant 2 : i32
          "tpu.region"() ({
            %run_scoped3A_164 = tpu.sem_alloc : memref<!tpu.dma_semaphore, #tpu.memory_space<semaphore_mem>>
            %dma_start3A_165 = arith.constant 0 : i32
            %dma_start3A_166 = arith.constant 0 : i32
            %dma_start3A_167 = tpu.memref_slice %arg8[%run_scoped3A_146, %dma_start3A_165, %dma_start3A_166] : memref<3x1x200xi32, #tpu.memory_space<vmem>> -> memref<1x1x200xi32, #tpu.memory_space<vmem>>
            %dma_start3A_168 = tpu.memref_squeeze %dma_start3A_167 : memref<1x1x200xi32, #tpu.memory_space<vmem>> -> memref<1x200xi32, #tpu.memory_space<vmem>>
            %dma_start3A_169 = arith.constant 0 : i32
            %dma_start3A_170 = arith.constant 0 : i32
            %dma_start3A_171 = tpu.memref_slice %arg4[%add3A_144, %dma_start3A_169, %dma_start3A_170] : memref<1600x1x200xi32, #tpu.memory_space<hbm>> -> memref<1x1x200xi32, #tpu.memory_space<hbm>>
            %dma_start3A_172 = tpu.memref_squeeze %dma_start3A_171 : memref<1x1x200xi32, #tpu.memory_space<hbm>> -> memref<1x200xi32, #tpu.memory_space<hbm>>
            %dma_start3A_173 = arith.constant 0 : i32
            %dma_start3A_174 = arith.constant 0 : i32
            %dma_start3A_175 = tpu.memref_slice %arg8[%run_scoped3A_146, %dma_start3A_173, %dma_start3A_174] : memref<3x1x200xi32, #tpu.memory_space<vmem>> -> memref<1x1x200xi32, #tpu.memory_space<vmem>>
            %dma_start3A_176 = tpu.memref_squeeze %dma_start3A_175 : memref<1x1x200xi32, #tpu.memory_space<vmem>> -> memref<1x200xi32, #tpu.memory_space<vmem>>
            %dma_start3A_177 = arith.constant 0 : i32
            %dma_start3A_178 = arith.constant 0 : i32
            %dma_start3A_179 = tpu.memref_slice %arg4[%add3A_144, %dma_start3A_177, %dma_start3A_178] : memref<1600x1x200xi32, #tpu.memory_space<hbm>> -> memref<1x1x200xi32, #tpu.memory_space<hbm>>
            %dma_start3A_180 = tpu.memref_squeeze %dma_start3A_179 : memref<1x1x200xi32, #tpu.memory_space<hbm>> -> memref<1x200xi32, #tpu.memory_space<hbm>>
            tpu.enqueue_dma source(%dma_start3A_180 : memref<1x200xi32, #tpu.memory_space<hbm>>) target(%dma_start3A_176 : memref<1x200xi32, #tpu.memory_space<vmem>>) target_semaphore(%run_scoped3A_164 : memref<!tpu.dma_semaphore, #tpu.memory_space<semaphore_mem>>)
            %dma_wait3A_181 = arith.constant 0 : i32
            %dma_wait3A_182 = arith.constant 0 : i32
            %dma_wait3A_183 = tpu.memref_slice %arg8[%run_scoped3A_146, %dma_wait3A_181, %dma_wait3A_182] : memref<3x1x200xi32, #tpu.memory_space<vmem>> -> memref<1x1x200xi32, #tpu.memory_space<vmem>>
            %dma_wait3A_184 = tpu.memref_squeeze %dma_wait3A_183 : memref<1x1x200xi32, #tpu.memory_space<vmem>> -> memref<1x200xi32, #tpu.memory_space<vmem>>
            %dma_wait3A_185 = arith.constant 0 : i32
            %dma_wait3A_186 = arith.constant 0 : i32
            %dma_wait3A_187 = tpu.memref_slice %arg4[%add3A_144, %dma_wait3A_185, %dma_wait3A_186] : memref<1600x1x200xi32, #tpu.memory_space<hbm>> -> memref<1x1x200xi32, #tpu.memory_space<hbm>>
            %dma_wait3A_188 = tpu.memref_squeeze %dma_wait3A_187 : memref<1x1x200xi32, #tpu.memory_space<hbm>> -> memref<1x200xi32, #tpu.memory_space<hbm>>
            %dma_wait3A_189 = arith.constant 0 : i32
            %dma_wait3A_190 = arith.constant 0 : i32
            %dma_wait3A_191 = tpu.memref_slice %arg8[%run_scoped3A_146, %dma_wait3A_189, %dma_wait3A_190] : memref<3x1x200xi32, #tpu.memory_space<vmem>> -> memref<1x1x200xi32, #tpu.memory_space<vmem>>
            %dma_wait3A_192 = tpu.memref_squeeze %dma_wait3A_191 : memref<1x1x200xi32, #tpu.memory_space<vmem>> -> memref<1x200xi32, #tpu.memory_space<vmem>>
            %dma_wait3A_193 = arith.constant 0 : i32
            %dma_wait3A_194 = arith.constant 0 : i32
            %dma_wait3A_195 = tpu.memref_slice %arg4[%add3A_144, %dma_wait3A_193, %dma_wait3A_194] : memref<1600x1x200xi32, #tpu.memory_space<hbm>> -> memref<1x1x200xi32, #tpu.memory_space<hbm>>
            %dma_wait3A_196 = tpu.memref_squeeze %dma_wait3A_195 : memref<1x1x200xi32, #tpu.memory_space<hbm>> -> memref<1x200xi32, #tpu.memory_space<hbm>>
            tpu.wait_dma2 semaphore(%run_scoped3A_164 : memref<!tpu.dma_semaphore, #tpu.memory_space<semaphore_mem>>) src(%dma_wait3A_196 : memref<1x200xi32, #tpu.memory_space<hbm>>) dst(%dma_wait3A_192 : memref<1x200xi32, #tpu.memory_space<vmem>>)
            tpu.yield
          }) : () -> ()
          %scan3A_147 = arith.constant 0 : i32
          %scan3A_148 = arith.constant 13 : i32
          %scan3A_149 = arith.addi %scan3A_147, %scan3A_148 : i32
          %scan3A_150 = arith.constant 1 : i32
          scf.for %scan3A_164 = %scan3A_147 to %scan3A_149 step %scan3A_150  : i32 {
            %mul3A_165 = arith.constant 16 : i32
            %mul3A_166 = arith.muli %scan3A_164, %mul3A_165 : i32
            %add3A_167 = arith.constant 0 : i32
            %add3A_168 = arith.addi %add3A_167, %mul3A_166 : i32
            %get3A = arith.constant 2 : i32
            %get3A_169 = arith.constant 0 : i32
            %get3A_170 = arith.index_cast %get3A : i32 to index
            %get3A_171 = arith.index_cast %get3A_169 : i32 to index
            %get3A_172 = arith.index_cast %add3A_168 : i32 to index
            %get3A_173 = tpu.vector_load %arg8[%get3A_170, %get3A_171, %get3A_172] {strides = array<i32>} : memref<3x1x200xi32, #tpu.memory_space<vmem>>, vector<16xi32>,
            %sub3A = vector.broadcast %mul3A_0 : i32 to vector<16xi32>
            %sub3A_174 = arith.subi %get3A_173, %sub3A : vector<16xi32>
            %ge3A_175 = arith.constant 0 : i32
            %ge3A_176 = vector.broadcast %ge3A_175 : i32 to vector<16xi32>
            %ge3A_177 = arith.cmpi sge, %sub3A_174, %ge3A_176 : vector<16xi32>
            %lt3A_178 = arith.constant 5000 : i32
            %lt3A_179 = vector.broadcast %lt3A_178 : i32 to vector<16xi32>
            %lt3A_180 = arith.cmpi slt, %sub3A_174, %lt3A_179 : vector<16xi32>
            %and3A = arith.andi %ge3A_177, %lt3A_180 : vector<16xi1>
            %jit3A = arith.constant 5000 : i32
            %broadcast_in_dim3A = vector.broadcast %jit3A : i32 to vector<16xi32>
            %select_n3A = arith.select %and3A, %sub3A_174, %broadcast_in_dim3A : vector<16xi1>, vector<16xi32>
            %swap3A = arith.constant 2 : i32
            %swap3A_181 = arith.constant 0 : i32
            %swap3A_182 = arith.index_cast %swap3A : i32 to index
            %swap3A_183 = arith.index_cast %swap3A_181 : i32 to index
            %swap3A_184 = arith.index_cast %add3A_168 : i32 to index
            %swap3A_185 = tpu.vector_load %arg9[%swap3A_182, %swap3A_183, %swap3A_184] {strides = array<i32>} : memref<3x1x200xi32, #tpu.memory_space<vmem>>, vector<16xi32>,
            tpu.vector_store %arg9[%swap3A_182, %swap3A_183, %swap3A_184], %select_n3A {strides = array<i32>} : memref<3x1x200xi32, #tpu.memory_space<vmem>>, vector<16xi32>,
          }
          %scan3A_151 = arith.constant 13 : i32
          %dma_start3A_152 = arith.constant 2 : i32
          %dma_start3A_153 = arith.constant 0 : i32
          %dma_start3A_154 = arith.constant 0 : i32
          %dma_start3A_155 = arith.constant 0 : i32
          %dma_start3A_156 = tpu.memref_slice %arg7[%dma_start3A_152, %dma_start3A_154, %dma_start3A_155] : memref<3x1x200xi32, #tpu.memory_space<vmem>> -> memref<1x1x200xi32, #tpu.memory_space<vmem>>
          %dma_start3A_157 = tpu.memref_squeeze %dma_start3A_156 : memref<1x1x200xi32, #tpu.memory_space<vmem>> -> memref<1x200xi32, #tpu.memory_space<vmem>>
          %dma_start3A_158 = arith.constant 0 : i32
          %dma_start3A_159 = tpu.memref_slice %dma_start3A_157[%dma_start3A_153, %dma_start3A_158] : memref<1x200xi32, #tpu.memory_space<vmem>> -> memref<1x200xi32, #tpu.memory_space<vmem>>
          %dma_start3A_160 = tpu.memref_squeeze %dma_start3A_159 : memref<1x200xi32, #tpu.memory_space<vmem>> -> memref<200xi32, #tpu.memory_space<vmem>>
          %dma_start3A_161 = arith.constant 0 : i32
          %dma_start3A_162 = arith.constant 0 : i32
          %dma_start3A_163 = tpu.memref_slice %arg2[%dma_start3A_161, %dma_start3A_162] : memref<10000x128xf32, #tpu.memory_space<hbm>> -> memref<10000x128xf32, #tpu.memory_space<hbm>>
          tpu.enqueue_indirect_dma source(%dma_start3A_163 : memref<10000x128xf32, #tpu.memory_space<hbm>>) target(%arg12 : memref<200x128xf32, #tpu.memory_space<vmem>>) offsets(%dma_start3A_160 : memref<200xi32, #tpu.memory_space<vmem>>) semaphore(%arg16 : memref<!tpu.dma_semaphore, #tpu.memory_space<semaphore_mem>>)
        } else {
        }
        %dma_wait3A_112 = arith.constant 0 : i32
        %dma_wait3A_113 = arith.constant 0 : i32
        %dma_wait3A_114 = arith.constant 0 : i32
        %dma_wait3A_115 = arith.constant 0 : i32
        %dma_wait3A_116 = tpu.memref_slice %arg7[%dma_wait3A_112, %dma_wait3A_114, %dma_wait3A_115] : memref<3x1x200xi32, #tpu.memory_space<vmem>> -> memref<1x1x200xi32, #tpu.memory_space<vmem>>
        %dma_wait3A_117 = tpu.memref_squeeze %dma_wait3A_116 : memref<1x1x200xi32, #tpu.memory_space<vmem>> -> memref<1x200xi32, #tpu.memory_space<vmem>>
        %dma_wait3A_118 = arith.constant 0 : i32
        %dma_wait3A_119 = tpu.memref_slice %dma_wait3A_117[%dma_wait3A_113, %dma_wait3A_118] : memref<1x200xi32, #tpu.memory_space<vmem>> -> memref<1x200xi32, #tpu.memory_space<vmem>>
        %dma_wait3A_120 = tpu.memref_squeeze %dma_wait3A_119 : memref<1x200xi32, #tpu.memory_space<vmem>> -> memref<200xi32, #tpu.memory_space<vmem>>
        %dma_wait3A_121 = arith.constant 0 : i32
        %dma_wait3A_122 = arith.constant 0 : i32
        %dma_wait3A_123 = tpu.memref_slice %arg2[%dma_wait3A_121, %dma_wait3A_122] : memref<10000x128xf32, #tpu.memory_space<hbm>> -> memref<10000x128xf32, #tpu.memory_space<hbm>>
        tpu.wait_indirect_dma semaphore(%arg14 : memref<!tpu.dma_semaphore, #tpu.memory_space<semaphore_mem>>) src(%dma_wait3A_123 : memref<10000x128xf32, #tpu.memory_space<hbm>>) dst(%arg10 : memref<200x128xf32, #tpu.memory_space<vmem>>)
        %dma_start3A_124 = arith.constant 0 : i32
        %dma_start3A_125 = arith.constant 0 : i32
        %dma_start3A_126 = arith.constant 0 : i32
        %dma_start3A_127 = arith.constant 0 : i32
        %dma_start3A_128 = tpu.memref_slice %arg9[%dma_start3A_124, %dma_start3A_126, %dma_start3A_127] : memref<3x1x200xi32, #tpu.memory_space<vmem>> -> memref<1x1x200xi32, #tpu.memory_space<vmem>>
        %dma_start3A_129 = tpu.memref_squeeze %dma_start3A_128 : memref<1x1x200xi32, #tpu.memory_space<vmem>> -> memref<1x200xi32, #tpu.memory_space<vmem>>
        %dma_start3A_130 = arith.constant 0 : i32
        %dma_start3A_131 = tpu.memref_slice %dma_start3A_129[%dma_start3A_125, %dma_start3A_130] : memref<1x200xi32, #tpu.memory_space<vmem>> -> memref<1x200xi32, #tpu.memory_space<vmem>>
        %dma_start3A_132 = tpu.memref_squeeze %dma_start3A_131 : memref<1x200xi32, #tpu.memory_space<vmem>> -> memref<200xi32, #tpu.memory_space<vmem>>
        %dma_start3A_133 = arith.constant 0 : i32
        %dma_start3A_134 = arith.constant 0 : i32
        %dma_start3A_135 = tpu.memref_slice %arg13[%dma_start3A_133, %dma_start3A_134] : memref<5120x128xf32, #tpu.memory_space<vmem_shared>> -> memref<5120x128xf32, #tpu.memory_space<vmem_shared>>
        tpu.enqueue_indirect_dma source(%arg10 : memref<200x128xf32, #tpu.memory_space<vmem>>) target(%dma_start3A_135 : memref<5120x128xf32, #tpu.memory_space<vmem_shared>>) offsets(%dma_start3A_132 : memref<200xi32, #tpu.memory_space<vmem>>) semaphore(%arg17 : memref<!tpu.dma_semaphore, #tpu.memory_space<semaphore_mem>>) {add = true}
      } else {
      }
      %add3A_91 = arith.constant 1 : i32
      %add3A_92 = arith.addi %add3A_86, %add3A_91 : i32
      %lt3A_93 = arith.constant 100 : i32
      %lt3A_94 = arith.cmpi slt, %add3A_92, %lt3A_93 : i32
      %convert_element_type3A_95 = arith.extui %lt3A_94 : i1 to i32
      %cond3A_96 = arith.constant 0 : i32
      %cond3A_97 = arith.cmpi ne, %convert_element_type3A_95, %cond3A_96 : i32
      scf.if %cond3A_97 {
        %add3A_105 = arith.constant 2 : i32
        %add3A_106 = arith.addi %add3A_92, %add3A_105 : i32
        %lt3A_107 = arith.constant 100 : i32
        %lt3A_108 = arith.cmpi slt, %add3A_106, %lt3A_107 : i32
        %convert_element_type3A_109 = arith.extui %lt3A_108 : i1 to i32
        %cond3A_110 = arith.constant 0 : i32
        %cond3A_111 = arith.cmpi ne, %convert_element_type3A_109, %cond3A_110 : i32
        scf.if %cond3A_111 {
          %ge3A = arith.constant 1 : i32
          %ge3A_136 = arith.cmpi sge, %add3A_92, %ge3A : i32
          %convert_element_type3A_137 = arith.extui %ge3A_136 : i1 to i32
          %cond3A_138 = arith.constant 0 : i32
          %cond3A_139 = arith.cmpi ne, %convert_element_type3A_137, %cond3A_138 : i32
          scf.if %cond3A_139 {
            %dma_wait3A_164 = arith.constant 0 : i32
            %dma_wait3A_165 = arith.constant 0 : i32
            %dma_wait3A_166 = arith.constant 0 : i32
            %dma_wait3A_167 = arith.constant 0 : i32
            %dma_wait3A_168 = tpu.memref_slice %arg9[%dma_wait3A_164, %dma_wait3A_166, %dma_wait3A_167] : memref<3x1x200xi32, #tpu.memory_space<vmem>> -> memref<1x1x200xi32, #tpu.memory_space<vmem>>
            %dma_wait3A_169 = tpu.memref_squeeze %dma_wait3A_168 : memref<1x1x200xi32, #tpu.memory_space<vmem>> -> memref<1x200xi32, #tpu.memory_space<vmem>>
            %dma_wait3A_170 = arith.constant 0 : i32
            %dma_wait3A_171 = tpu.memref_slice %dma_wait3A_169[%dma_wait3A_165, %dma_wait3A_170] : memref<1x200xi32, #tpu.memory_space<vmem>> -> memref<1x200xi32, #tpu.memory_space<vmem>>
            %dma_wait3A_172 = tpu.memref_squeeze %dma_wait3A_171 : memref<1x200xi32, #tpu.memory_space<vmem>> -> memref<200xi32, #tpu.memory_space<vmem>>
            %dma_wait3A_173 = arith.constant 0 : i32
            %dma_wait3A_174 = arith.constant 0 : i32
            %dma_wait3A_175 = tpu.memref_slice %arg13[%dma_wait3A_173, %dma_wait3A_174] : memref<5120x128xf32, #tpu.memory_space<vmem_shared>> -> memref<5120x128xf32, #tpu.memory_space<vmem_shared>>
            tpu.wait_indirect_dma semaphore(%arg17 : memref<!tpu.dma_semaphore, #tpu.memory_space<semaphore_mem>>) src(%arg10 : memref<200x128xf32, #tpu.memory_space<vmem>>) dst(%dma_wait3A_175 : memref<5120x128xf32, #tpu.memory_space<vmem_shared>>)
          } else {
          }
          %add3A_140 = arith.constant 2 : i32
          %add3A_141 = arith.addi %add3A_92, %add3A_140 : i32
          %mul3A_142 = arith.constant 16 : i32
          %mul3A_143 = arith.muli %add3A_141, %mul3A_142 : i32
          %add3A_144 = arith.addi %mul3A_143, %arg1 : i32
          %run_scoped3A_145 = arith.constant 0 : i32
          "tpu.region"() ({
            %run_scoped3A_164 = tpu.sem_alloc : memref<!tpu.dma_semaphore, #tpu.memory_space<semaphore_mem>>
            %dma_start3A_165 = arith.constant 0 : i32
            %dma_start3A_166 = arith.constant 0 : i32
            %dma_start3A_167 = tpu.memref_slice %arg7[%run_scoped3A_145, %dma_start3A_165, %dma_start3A_166] : memref<3x1x200xi32, #tpu.memory_space<vmem>> -> memref<1x1x200xi32, #tpu.memory_space<vmem>>
            %dma_start3A_168 = tpu.memref_squeeze %dma_start3A_167 : memref<1x1x200xi32, #tpu.memory_space<vmem>> -> memref<1x200xi32, #tpu.memory_space<vmem>>
            %dma_start3A_169 = arith.constant 0 : i32
            %dma_start3A_170 = arith.constant 0 : i32
            %dma_start3A_171 = tpu.memref_slice %arg3[%add3A_144, %dma_start3A_169, %dma_start3A_170] : memref<1600x1x200xi32, #tpu.memory_space<hbm>> -> memref<1x1x200xi32, #tpu.memory_space<hbm>>
            %dma_start3A_172 = tpu.memref_squeeze %dma_start3A_171 : memref<1x1x200xi32, #tpu.memory_space<hbm>> -> memref<1x200xi32, #tpu.memory_space<hbm>>
            %dma_start3A_173 = arith.constant 0 : i32
            %dma_start3A_174 = arith.constant 0 : i32
            %dma_start3A_175 = tpu.memref_slice %arg7[%run_scoped3A_145, %dma_start3A_173, %dma_start3A_174] : memref<3x1x200xi32, #tpu.memory_space<vmem>> -> memref<1x1x200xi32, #tpu.memory_space<vmem>>
            %dma_start3A_176 = tpu.memref_squeeze %dma_start3A_175 : memref<1x1x200xi32, #tpu.memory_space<vmem>> -> memref<1x200xi32, #tpu.memory_space<vmem>>
            %dma_start3A_177 = arith.constant 0 : i32
            %dma_start3A_178 = arith.constant 0 : i32
            %dma_start3A_179 = tpu.memref_slice %arg3[%add3A_144, %dma_start3A_177, %dma_start3A_178] : memref<1600x1x200xi32, #tpu.memory_space<hbm>> -> memref<1x1x200xi32, #tpu.memory_space<hbm>>
            %dma_start3A_180 = tpu.memref_squeeze %dma_start3A_179 : memref<1x1x200xi32, #tpu.memory_space<hbm>> -> memref<1x200xi32, #tpu.memory_space<hbm>>
            tpu.enqueue_dma source(%dma_start3A_180 : memref<1x200xi32, #tpu.memory_space<hbm>>) target(%dma_start3A_176 : memref<1x200xi32, #tpu.memory_space<vmem>>) target_semaphore(%run_scoped3A_164 : memref<!tpu.dma_semaphore, #tpu.memory_space<semaphore_mem>>)
            %dma_wait3A_181 = arith.constant 0 : i32
            %dma_wait3A_182 = arith.constant 0 : i32
            %dma_wait3A_183 = tpu.memref_slice %arg7[%run_scoped3A_145, %dma_wait3A_181, %dma_wait3A_182] : memref<3x1x200xi32, #tpu.memory_space<vmem>> -> memref<1x1x200xi32, #tpu.memory_space<vmem>>
            %dma_wait3A_184 = tpu.memref_squeeze %dma_wait3A_183 : memref<1x1x200xi32, #tpu.memory_space<vmem>> -> memref<1x200xi32, #tpu.memory_space<vmem>>
            %dma_wait3A_185 = arith.constant 0 : i32
            %dma_wait3A_186 = arith.constant 0 : i32
            %dma_wait3A_187 = tpu.memref_slice %arg3[%add3A_144, %dma_wait3A_185, %dma_wait3A_186] : memref<1600x1x200xi32, #tpu.memory_space<hbm>> -> memref<1x1x200xi32, #tpu.memory_space<hbm>>
            %dma_wait3A_188 = tpu.memref_squeeze %dma_wait3A_187 : memref<1x1x200xi32, #tpu.memory_space<hbm>> -> memref<1x200xi32, #tpu.memory_space<hbm>>
            %dma_wait3A_189 = arith.constant 0 : i32
            %dma_wait3A_190 = arith.constant 0 : i32
            %dma_wait3A_191 = tpu.memref_slice %arg7[%run_scoped3A_145, %dma_wait3A_189, %dma_wait3A_190] : memref<3x1x200xi32, #tpu.memory_space<vmem>> -> memref<1x1x200xi32, #tpu.memory_space<vmem>>
            %dma_wait3A_192 = tpu.memref_squeeze %dma_wait3A_191 : memref<1x1x200xi32, #tpu.memory_space<vmem>> -> memref<1x200xi32, #tpu.memory_space<vmem>>
            %dma_wait3A_193 = arith.constant 0 : i32
            %dma_wait3A_194 = arith.constant 0 : i32
            %dma_wait3A_195 = tpu.memref_slice %arg3[%add3A_144, %dma_wait3A_193, %dma_wait3A_194] : memref<1600x1x200xi32, #tpu.memory_space<hbm>> -> memref<1x1x200xi32, #tpu.memory_space<hbm>>
            %dma_wait3A_196 = tpu.memref_squeeze %dma_wait3A_195 : memref<1x1x200xi32, #tpu.memory_space<hbm>> -> memref<1x200xi32, #tpu.memory_space<hbm>>
            tpu.wait_dma2 semaphore(%run_scoped3A_164 : memref<!tpu.dma_semaphore, #tpu.memory_space<semaphore_mem>>) src(%dma_wait3A_196 : memref<1x200xi32, #tpu.memory_space<hbm>>) dst(%dma_wait3A_192 : memref<1x200xi32, #tpu.memory_space<vmem>>)
            tpu.yield
          }) : () -> ()
          %run_scoped3A_146 = arith.constant 0 : i32
          "tpu.region"() ({
            %run_scoped3A_164 = tpu.sem_alloc : memref<!tpu.dma_semaphore, #tpu.memory_space<semaphore_mem>>
            %dma_start3A_165 = arith.constant 0 : i32
            %dma_start3A_166 = arith.constant 0 : i32
            %dma_start3A_167 = tpu.memref_slice %arg8[%run_scoped3A_146, %dma_start3A_165, %dma_start3A_166] : memref<3x1x200xi32, #tpu.memory_space<vmem>> -> memref<1x1x200xi32, #tpu.memory_space<vmem>>
            %dma_start3A_168 = tpu.memref_squeeze %dma_start3A_167 : memref<1x1x200xi32, #tpu.memory_space<vmem>> -> memref<1x200xi32, #tpu.memory_space<vmem>>
            %dma_start3A_169 = arith.constant 0 : i32
            %dma_start3A_170 = arith.constant 0 : i32
            %dma_start3A_171 = tpu.memref_slice %arg4[%add3A_144, %dma_start3A_169, %dma_start3A_170] : memref<1600x1x200xi32, #tpu.memory_space<hbm>> -> memref<1x1x200xi32, #tpu.memory_space<hbm>>
            %dma_start3A_172 = tpu.memref_squeeze %dma_start3A_171 : memref<1x1x200xi32, #tpu.memory_space<hbm>> -> memref<1x200xi32, #tpu.memory_space<hbm>>
            %dma_start3A_173 = arith.constant 0 : i32
            %dma_start3A_174 = arith.constant 0 : i32
            %dma_start3A_175 = tpu.memref_slice %arg8[%run_scoped3A_146, %dma_start3A_173, %dma_start3A_174] : memref<3x1x200xi32, #tpu.memory_space<vmem>> -> memref<1x1x200xi32, #tpu.memory_space<vmem>>
            %dma_start3A_176 = tpu.memref_squeeze %dma_start3A_175 : memref<1x1x200xi32, #tpu.memory_space<vmem>> -> memref<1x200xi32, #tpu.memory_space<vmem>>
            %dma_start3A_177 = arith.constant 0 : i32
            %dma_start3A_178 = arith.constant 0 : i32
            %dma_start3A_179 = tpu.memref_slice %arg4[%add3A_144, %dma_start3A_177, %dma_start3A_178] : memref<1600x1x200xi32, #tpu.memory_space<hbm>> -> memref<1x1x200xi32, #tpu.memory_space<hbm>>
            %dma_start3A_180 = tpu.memref_squeeze %dma_start3A_179 : memref<1x1x200xi32, #tpu.memory_space<hbm>> -> memref<1x200xi32, #tpu.memory_space<hbm>>
            tpu.enqueue_dma source(%dma_start3A_180 : memref<1x200xi32, #tpu.memory_space<hbm>>) target(%dma_start3A_176 : memref<1x200xi32, #tpu.memory_space<vmem>>) target_semaphore(%run_scoped3A_164 : memref<!tpu.dma_semaphore, #tpu.memory_space<semaphore_mem>>)
            %dma_wait3A_181 = arith.constant 0 : i32
            %dma_wait3A_182 = arith.constant 0 : i32
            %dma_wait3A_183 = tpu.memref_slice %arg8[%run_scoped3A_146, %dma_wait3A_181, %dma_wait3A_182] : memref<3x1x200xi32, #tpu.memory_space<vmem>> -> memref<1x1x200xi32, #tpu.memory_space<vmem>>
            %dma_wait3A_184 = tpu.memref_squeeze %dma_wait3A_183 : memref<1x1x200xi32, #tpu.memory_space<vmem>> -> memref<1x200xi32, #tpu.memory_space<vmem>>
            %dma_wait3A_185 = arith.constant 0 : i32
            %dma_wait3A_186 = arith.constant 0 : i32
            %dma_wait3A_187 = tpu.memref_slice %arg4[%add3A_144, %dma_wait3A_185, %dma_wait3A_186] : memref<1600x1x200xi32, #tpu.memory_space<hbm>> -> memref<1x1x200xi32, #tpu.memory_space<hbm>>
            %dma_wait3A_188 = tpu.memref_squeeze %dma_wait3A_187 : memref<1x1x200xi32, #tpu.memory_space<hbm>> -> memref<1x200xi32, #tpu.memory_space<hbm>>
            %dma_wait3A_189 = arith.constant 0 : i32
            %dma_wait3A_190 = arith.constant 0 : i32
            %dma_wait3A_191 = tpu.memref_slice %arg8[%run_scoped3A_146, %dma_wait3A_189, %dma_wait3A_190] : memref<3x1x200xi32, #tpu.memory_space<vmem>> -> memref<1x1x200xi32, #tpu.memory_space<vmem>>
            %dma_wait3A_192 = tpu.memref_squeeze %dma_wait3A_191 : memref<1x1x200xi32, #tpu.memory_space<vmem>> -> memref<1x200xi32, #tpu.memory_space<vmem>>
            %dma_wait3A_193 = arith.constant 0 : i32
            %dma_wait3A_194 = arith.constant 0 : i32
            %dma_wait3A_195 = tpu.memref_slice %arg4[%add3A_144, %dma_wait3A_193, %dma_wait3A_194] : memref<1600x1x200xi32, #tpu.memory_space<hbm>> -> memref<1x1x200xi32, #tpu.memory_space<hbm>>
            %dma_wait3A_196 = tpu.memref_squeeze %dma_wait3A_195 : memref<1x1x200xi32, #tpu.memory_space<hbm>> -> memref<1x200xi32, #tpu.memory_space<hbm>>
            tpu.wait_dma2 semaphore(%run_scoped3A_164 : memref<!tpu.dma_semaphore, #tpu.memory_space<semaphore_mem>>) src(%dma_wait3A_196 : memref<1x200xi32, #tpu.memory_space<hbm>>) dst(%dma_wait3A_192 : memref<1x200xi32, #tpu.memory_space<vmem>>)
            tpu.yield
          }) : () -> ()
          %scan3A_147 = arith.constant 0 : i32
          %scan3A_148 = arith.constant 13 : i32
          %scan3A_149 = arith.addi %scan3A_147, %scan3A_148 : i32
          %scan3A_150 = arith.constant 1 : i32
          scf.for %scan3A_164 = %scan3A_147 to %scan3A_149 step %scan3A_150  : i32 {
            %mul3A_165 = arith.constant 16 : i32
            %mul3A_166 = arith.muli %scan3A_164, %mul3A_165 : i32
            %add3A_167 = arith.constant 0 : i32
            %add3A_168 = arith.addi %add3A_167, %mul3A_166 : i32
            %get3A = arith.constant 0 : i32
            %get3A_169 = arith.constant 0 : i32
            %get3A_170 = arith.index_cast %get3A : i32 to index
            %get3A_171 = arith.index_cast %get3A_169 : i32 to index
            %get3A_172 = arith.index_cast %add3A_168 : i32 to index
            %get3A_173 = tpu.vector_load %arg8[%get3A_170, %get3A_171, %get3A_172] {strides = array<i32>} : memref<3x1x200xi32, #tpu.memory_space<vmem>>, vector<16xi32>,
            %sub3A = vector.broadcast %mul3A_0 : i32 to vector<16xi32>
            %sub3A_174 = arith.subi %get3A_173, %sub3A : vector<16xi32>
            %ge3A_175 = arith.constant 0 : i32
            %ge3A_176 = vector.broadcast %ge3A_175 : i32 to vector<16xi32>
            %ge3A_177 = arith.cmpi sge, %sub3A_174, %ge3A_176 : vector<16xi32>
            %lt3A_178 = arith.constant 5000 : i32
            %lt3A_179 = vector.broadcast %lt3A_178 : i32 to vector<16xi32>
            %lt3A_180 = arith.cmpi slt, %sub3A_174, %lt3A_179 : vector<16xi32>
            %and3A = arith.andi %ge3A_177, %lt3A_180 : vector<16xi1>
            %jit3A = arith.constant 5000 : i32
            %broadcast_in_dim3A = vector.broadcast %jit3A : i32 to vector<16xi32>
            %select_n3A = arith.select %and3A, %sub3A_174, %broadcast_in_dim3A : vector<16xi1>, vector<16xi32>
            %swap3A = arith.constant 0 : i32
            %swap3A_181 = arith.constant 0 : i32
            %swap3A_182 = arith.index_cast %swap3A : i32 to index
            %swap3A_183 = arith.index_cast %swap3A_181 : i32 to index
            %swap3A_184 = arith.index_cast %add3A_168 : i32 to index
            %swap3A_185 = tpu.vector_load %arg9[%swap3A_182, %swap3A_183, %swap3A_184] {strides = array<i32>} : memref<3x1x200xi32, #tpu.memory_space<vmem>>, vector<16xi32>,
            tpu.vector_store %arg9[%swap3A_182, %swap3A_183, %swap3A_184], %select_n3A {strides = array<i32>} : memref<3x1x200xi32, #tpu.memory_space<vmem>>, vector<16xi32>,
          }
          %scan3A_151 = arith.constant 13 : i32
          %dma_start3A_152 = arith.constant 0 : i32
          %dma_start3A_153 = arith.constant 0 : i32
          %dma_start3A_154 = arith.constant 0 : i32
          %dma_start3A_155 = arith.constant 0 : i32
          %dma_start3A_156 = tpu.memref_slice %arg7[%dma_start3A_152, %dma_start3A_154, %dma_start3A_155] : memref<3x1x200xi32, #tpu.memory_space<vmem>> -> memref<1x1x200xi32, #tpu.memory_space<vmem>>
          %dma_start3A_157 = tpu.memref_squeeze %dma_start3A_156 : memref<1x1x200xi32, #tpu.memory_space<vmem>> -> memref<1x200xi32, #tpu.memory_space<vmem>>
          %dma_start3A_158 = arith.constant 0 : i32
          %dma_start3A_159 = tpu.memref_slice %dma_start3A_157[%dma_start3A_153, %dma_start3A_158] : memref<1x200xi32, #tpu.memory_space<vmem>> -> memref<1x200xi32, #tpu.memory_space<vmem>>
          %dma_start3A_160 = tpu.memref_squeeze %dma_start3A_159 : memref<1x200xi32, #tpu.memory_space<vmem>> -> memref<200xi32, #tpu.memory_space<vmem>>
          %dma_start3A_161 = arith.constant 0 : i32
          %dma_start3A_162 = arith.constant 0 : i32
          %dma_start3A_163 = tpu.memref_slice %arg2[%dma_start3A_161, %dma_start3A_162] : memref<10000x128xf32, #tpu.memory_space<hbm>> -> memref<10000x128xf32, #tpu.memory_space<hbm>>
          tpu.enqueue_indirect_dma source(%dma_start3A_163 : memref<10000x128xf32, #tpu.memory_space<hbm>>) target(%arg10 : memref<200x128xf32, #tpu.memory_space<vmem>>) offsets(%dma_start3A_160 : memref<200xi32, #tpu.memory_space<vmem>>) semaphore(%arg14 : memref<!tpu.dma_semaphore, #tpu.memory_space<semaphore_mem>>)
        } else {
        }
        %dma_wait3A_112 = arith.constant 1 : i32
        %dma_wait3A_113 = arith.constant 0 : i32
        %dma_wait3A_114 = arith.constant 0 : i32
        %dma_wait3A_115 = arith.constant 0 : i32
        %dma_wait3A_116 = tpu.memref_slice %arg7[%dma_wait3A_112, %dma_wait3A_114, %dma_wait3A_115] : memref<3x1x200xi32, #tpu.memory_space<vmem>> -> memref<1x1x200xi32, #tpu.memory_space<vmem>>
        %dma_wait3A_117 = tpu.memref_squeeze %dma_wait3A_116 : memref<1x1x200xi32, #tpu.memory_space<vmem>> -> memref<1x200xi32, #tpu.memory_space<vmem>>
        %dma_wait3A_118 = arith.constant 0 : i32
        %dma_wait3A_119 = tpu.memref_slice %dma_wait3A_117[%dma_wait3A_113, %dma_wait3A_118] : memref<1x200xi32, #tpu.memory_space<vmem>> -> memref<1x200xi32, #tpu.memory_space<vmem>>
        %dma_wait3A_120 = tpu.memref_squeeze %dma_wait3A_119 : memref<1x200xi32, #tpu.memory_space<vmem>> -> memref<200xi32, #tpu.memory_space<vmem>>
        %dma_wait3A_121 = arith.constant 0 : i32
        %dma_wait3A_122 = arith.constant 0 : i32
        %dma_wait3A_123 = tpu.memref_slice %arg2[%dma_wait3A_121, %dma_wait3A_122] : memref<10000x128xf32, #tpu.memory_space<hbm>> -> memref<10000x128xf32, #tpu.memory_space<hbm>>
        tpu.wait_indirect_dma semaphore(%arg15 : memref<!tpu.dma_semaphore, #tpu.memory_space<semaphore_mem>>) src(%dma_wait3A_123 : memref<10000x128xf32, #tpu.memory_space<hbm>>) dst(%arg11 : memref<200x128xf32, #tpu.memory_space<vmem>>)
        %dma_start3A_124 = arith.constant 1 : i32
        %dma_start3A_125 = arith.constant 0 : i32
        %dma_start3A_126 = arith.constant 0 : i32
        %dma_start3A_127 = arith.constant 0 : i32
        %dma_start3A_128 = tpu.memref_slice %arg9[%dma_start3A_124, %dma_start3A_126, %dma_start3A_127] : memref<3x1x200xi32, #tpu.memory_space<vmem>> -> memref<1x1x200xi32, #tpu.memory_space<vmem>>
        %dma_start3A_129 = tpu.memref_squeeze %dma_start3A_128 : memref<1x1x200xi32, #tpu.memory_space<vmem>> -> memref<1x200xi32, #tpu.memory_space<vmem>>
        %dma_start3A_130 = arith.constant 0 : i32
        %dma_start3A_131 = tpu.memref_slice %dma_start3A_129[%dma_start3A_125, %dma_start3A_130] : memref<1x200xi32, #tpu.memory_space<vmem>> -> memref<1x200xi32, #tpu.memory_space<vmem>>
        %dma_start3A_132 = tpu.memref_squeeze %dma_start3A_131 : memref<1x200xi32, #tpu.memory_space<vmem>> -> memref<200xi32, #tpu.memory_space<vmem>>
        %dma_start3A_133 = arith.constant 0 : i32
        %dma_start3A_134 = arith.constant 0 : i32
        %dma_start3A_135 = tpu.memref_slice %arg13[%dma_start3A_133, %dma_start3A_134] : memref<5120x128xf32, #tpu.memory_space<vmem_shared>> -> memref<5120x128xf32, #tpu.memory_space<vmem_shared>>
        tpu.enqueue_indirect_dma source(%arg11 : memref<200x128xf32, #tpu.memory_space<vmem>>) target(%dma_start3A_135 : memref<5120x128xf32, #tpu.memory_space<vmem_shared>>) offsets(%dma_start3A_132 : memref<200xi32, #tpu.memory_space<vmem>>) semaphore(%arg18 : memref<!tpu.dma_semaphore, #tpu.memory_space<semaphore_mem>>) {add = true}
      } else {
      }
      %add3A_98 = arith.constant 2 : i32
      %add3A_99 = arith.addi %add3A_86, %add3A_98 : i32
      %lt3A_100 = arith.constant 100 : i32
      %lt3A_101 = arith.cmpi slt, %add3A_99, %lt3A_100 : i32
      %convert_element_type3A_102 = arith.extui %lt3A_101 : i1 to i32
      %cond3A_103 = arith.constant 0 : i32
      %cond3A_104 = arith.cmpi ne, %convert_element_type3A_102, %cond3A_103 : i32
      scf.if %cond3A_104 {
        %add3A_105 = arith.constant 2 : i32
        %add3A_106 = arith.addi %add3A_99, %add3A_105 : i32
        %lt3A_107 = arith.constant 100 : i32
        %lt3A_108 = arith.cmpi slt, %add3A_106, %lt3A_107 : i32
        %convert_element_type3A_109 = arith.extui %lt3A_108 : i1 to i32
        %cond3A_110 = arith.constant 0 : i32
        %cond3A_111 = arith.cmpi ne, %convert_element_type3A_109, %cond3A_110 : i32
        scf.if %cond3A_111 {
          %ge3A = arith.constant 1 : i32
          %ge3A_136 = arith.cmpi sge, %add3A_99, %ge3A : i32
          %convert_element_type3A_137 = arith.extui %ge3A_136 : i1 to i32
          %cond3A_138 = arith.constant 0 : i32
          %cond3A_139 = arith.cmpi ne, %convert_element_type3A_137, %cond3A_138 : i32
          scf.if %cond3A_139 {
            %dma_wait3A_164 = arith.constant 1 : i32
            %dma_wait3A_165 = arith.constant 0 : i32
            %dma_wait3A_166 = arith.constant 0 : i32
            %dma_wait3A_167 = arith.constant 0 : i32
            %dma_wait3A_168 = tpu.memref_slice %arg9[%dma_wait3A_164, %dma_wait3A_166, %dma_wait3A_167] : memref<3x1x200xi32, #tpu.memory_space<vmem>> -> memref<1x1x200xi32, #tpu.memory_space<vmem>>
            %dma_wait3A_169 = tpu.memref_squeeze %dma_wait3A_168 : memref<1x1x200xi32, #tpu.memory_space<vmem>> -> memref<1x200xi32, #tpu.memory_space<vmem>>
            %dma_wait3A_170 = arith.constant 0 : i32
            %dma_wait3A_171 = tpu.memref_slice %dma_wait3A_169[%dma_wait3A_165, %dma_wait3A_170] : memref<1x200xi32, #tpu.memory_space<vmem>> -> memref<1x200xi32, #tpu.memory_space<vmem>>
            %dma_wait3A_172 = tpu.memref_squeeze %dma_wait3A_171 : memref<1x200xi32, #tpu.memory_space<vmem>> -> memref<200xi32, #tpu.memory_space<vmem>>
            %dma_wait3A_173 = arith.constant 0 : i32
            %dma_wait3A_174 = arith.constant 0 : i32
            %dma_wait3A_175 = tpu.memref_slice %arg13[%dma_wait3A_173, %dma_wait3A_174] : memref<5120x128xf32, #tpu.memory_space<vmem_shared>> -> memref<5120x128xf32, #tpu.memory_space<vmem_shared>>
            tpu.wait_indirect_dma semaphore(%arg18 : memref<!tpu.dma_semaphore, #tpu.memory_space<semaphore_mem>>) src(%arg11 : memref<200x128xf32, #tpu.memory_space<vmem>>) dst(%dma_wait3A_175 : memref<5120x128xf32, #tpu.memory_space<vmem_shared>>)
          } else {
          }
          %add3A_140 = arith.constant 2 : i32
          %add3A_141 = arith.addi %add3A_99, %add3A_140 : i32
          %mul3A_142 = arith.constant 16 : i32
          %mul3A_143 = arith.muli %add3A_141, %mul3A_142 : i32
          %add3A_144 = arith.addi %mul3A_143, %arg1 : i32
          %run_scoped3A_145 = arith.constant 1 : i32
          "tpu.region"() ({
            %run_scoped3A_164 = tpu.sem_alloc : memref<!tpu.dma_semaphore, #tpu.memory_space<semaphore_mem>>
            %dma_start3A_165 = arith.constant 0 : i32
            %dma_start3A_166 = arith.constant 0 : i32
            %dma_start3A_167 = tpu.memref_slice %arg7[%run_scoped3A_145, %dma_start3A_165, %dma_start3A_166] : memref<3x1x200xi32, #tpu.memory_space<vmem>> -> memref<1x1x200xi32, #tpu.memory_space<vmem>>
            %dma_start3A_168 = tpu.memref_squeeze %dma_start3A_167 : memref<1x1x200xi32, #tpu.memory_space<vmem>> -> memref<1x200xi32, #tpu.memory_space<vmem>>
            %dma_start3A_169 = arith.constant 0 : i32
            %dma_start3A_170 = arith.constant 0 : i32
            %dma_start3A_171 = tpu.memref_slice %arg3[%add3A_144, %dma_start3A_169, %dma_start3A_170] : memref<1600x1x200xi32, #tpu.memory_space<hbm>> -> memref<1x1x200xi32, #tpu.memory_space<hbm>>
            %dma_start3A_172 = tpu.memref_squeeze %dma_start3A_171 : memref<1x1x200xi32, #tpu.memory_space<hbm>> -> memref<1x200xi32, #tpu.memory_space<hbm>>
            %dma_start3A_173 = arith.constant 0 : i32
            %dma_start3A_174 = arith.constant 0 : i32
            %dma_start3A_175 = tpu.memref_slice %arg7[%run_scoped3A_145, %dma_start3A_173, %dma_start3A_174] : memref<3x1x200xi32, #tpu.memory_space<vmem>> -> memref<1x1x200xi32, #tpu.memory_space<vmem>>
            %dma_start3A_176 = tpu.memref_squeeze %dma_start3A_175 : memref<1x1x200xi32, #tpu.memory_space<vmem>> -> memref<1x200xi32, #tpu.memory_space<vmem>>
            %dma_start3A_177 = arith.constant 0 : i32
            %dma_start3A_178 = arith.constant 0 : i32
            %dma_start3A_179 = tpu.memref_slice %arg3[%add3A_144, %dma_start3A_177, %dma_start3A_178] : memref<1600x1x200xi32, #tpu.memory_space<hbm>> -> memref<1x1x200xi32, #tpu.memory_space<hbm>>
            %dma_start3A_180 = tpu.memref_squeeze %dma_start3A_179 : memref<1x1x200xi32, #tpu.memory_space<hbm>> -> memref<1x200xi32, #tpu.memory_space<hbm>>
            tpu.enqueue_dma source(%dma_start3A_180 : memref<1x200xi32, #tpu.memory_space<hbm>>) target(%dma_start3A_176 : memref<1x200xi32, #tpu.memory_space<vmem>>) target_semaphore(%run_scoped3A_164 : memref<!tpu.dma_semaphore, #tpu.memory_space<semaphore_mem>>)
            %dma_wait3A_181 = arith.constant 0 : i32
            %dma_wait3A_182 = arith.constant 0 : i32
            %dma_wait3A_183 = tpu.memref_slice %arg7[%run_scoped3A_145, %dma_wait3A_181, %dma_wait3A_182] : memref<3x1x200xi32, #tpu.memory_space<vmem>> -> memref<1x1x200xi32, #tpu.memory_space<vmem>>
            %dma_wait3A_184 = tpu.memref_squeeze %dma_wait3A_183 : memref<1x1x200xi32, #tpu.memory_space<vmem>> -> memref<1x200xi32, #tpu.memory_space<vmem>>
            %dma_wait3A_185 = arith.constant 0 : i32
            %dma_wait3A_186 = arith.constant 0 : i32
            %dma_wait3A_187 = tpu.memref_slice %arg3[%add3A_144, %dma_wait3A_185, %dma_wait3A_186] : memref<1600x1x200xi32, #tpu.memory_space<hbm>> -> memref<1x1x200xi32, #tpu.memory_space<hbm>>
            %dma_wait3A_188 = tpu.memref_squeeze %dma_wait3A_187 : memref<1x1x200xi32, #tpu.memory_space<hbm>> -> memref<1x200xi32, #tpu.memory_space<hbm>>
            %dma_wait3A_189 = arith.constant 0 : i32
            %dma_wait3A_190 = arith.constant 0 : i32
            %dma_wait3A_191 = tpu.memref_slice %arg7[%run_scoped3A_145, %dma_wait3A_189, %dma_wait3A_190] : memref<3x1x200xi32, #tpu.memory_space<vmem>> -> memref<1x1x200xi32, #tpu.memory_space<vmem>>
            %dma_wait3A_192 = tpu.memref_squeeze %dma_wait3A_191 : memref<1x1x200xi32, #tpu.memory_space<vmem>> -> memref<1x200xi32, #tpu.memory_space<vmem>>
            %dma_wait3A_193 = arith.constant 0 : i32
            %dma_wait3A_194 = arith.constant 0 : i32
            %dma_wait3A_195 = tpu.memref_slice %arg3[%add3A_144, %dma_wait3A_193, %dma_wait3A_194] : memref<1600x1x200xi32, #tpu.memory_space<hbm>> -> memref<1x1x200xi32, #tpu.memory_space<hbm>>
            %dma_wait3A_196 = tpu.memref_squeeze %dma_wait3A_195 : memref<1x1x200xi32, #tpu.memory_space<hbm>> -> memref<1x200xi32, #tpu.memory_space<hbm>>
            tpu.wait_dma2 semaphore(%run_scoped3A_164 : memref<!tpu.dma_semaphore, #tpu.memory_space<semaphore_mem>>) src(%dma_wait3A_196 : memref<1x200xi32, #tpu.memory_space<hbm>>) dst(%dma_wait3A_192 : memref<1x200xi32, #tpu.memory_space<vmem>>)
            tpu.yield
          }) : () -> ()
          %run_scoped3A_146 = arith.constant 1 : i32
          "tpu.region"() ({
            %run_scoped3A_164 = tpu.sem_alloc : memref<!tpu.dma_semaphore, #tpu.memory_space<semaphore_mem>>
            %dma_start3A_165 = arith.constant 0 : i32
            %dma_start3A_166 = arith.constant 0 : i32
            %dma_start3A_167 = tpu.memref_slice %arg8[%run_scoped3A_146, %dma_start3A_165, %dma_start3A_166] : memref<3x1x200xi32, #tpu.memory_space<vmem>> -> memref<1x1x200xi32, #tpu.memory_space<vmem>>
            %dma_start3A_168 = tpu.memref_squeeze %dma_start3A_167 : memref<1x1x200xi32, #tpu.memory_space<vmem>> -> memref<1x200xi32, #tpu.memory_space<vmem>>
            %dma_start3A_169 = arith.constant 0 : i32
            %dma_start3A_170 = arith.constant 0 : i32
            %dma_start3A_171 = tpu.memref_slice %arg4[%add3A_144, %dma_start3A_169, %dma_start3A_170] : memref<1600x1x200xi32, #tpu.memory_space<hbm>> -> memref<1x1x200xi32, #tpu.memory_space<hbm>>
            %dma_start3A_172 = tpu.memref_squeeze %dma_start3A_171 : memref<1x1x200xi32, #tpu.memory_space<hbm>> -> memref<1x200xi32, #tpu.memory_space<hbm>>
            %dma_start3A_173 = arith.constant 0 : i32
            %dma_start3A_174 = arith.constant 0 : i32
            %dma_start3A_175 = tpu.memref_slice %arg8[%run_scoped3A_146, %dma_start3A_173, %dma_start3A_174] : memref<3x1x200xi32, #tpu.memory_space<vmem>> -> memref<1x1x200xi32, #tpu.memory_space<vmem>>
            %dma_start3A_176 = tpu.memref_squeeze %dma_start3A_175 : memref<1x1x200xi32, #tpu.memory_space<vmem>> -> memref<1x200xi32, #tpu.memory_space<vmem>>
            %dma_start3A_177 = arith.constant 0 : i32
            %dma_start3A_178 = arith.constant 0 : i32
            %dma_start3A_179 = tpu.memref_slice %arg4[%add3A_144, %dma_start3A_177, %dma_start3A_178] : memref<1600x1x200xi32, #tpu.memory_space<hbm>> -> memref<1x1x200xi32, #tpu.memory_space<hbm>>
            %dma_start3A_180 = tpu.memref_squeeze %dma_start3A_179 : memref<1x1x200xi32, #tpu.memory_space<hbm>> -> memref<1x200xi32, #tpu.memory_space<hbm>>
            tpu.enqueue_dma source(%dma_start3A_180 : memref<1x200xi32, #tpu.memory_space<hbm>>) target(%dma_start3A_176 : memref<1x200xi32, #tpu.memory_space<vmem>>) target_semaphore(%run_scoped3A_164 : memref<!tpu.dma_semaphore, #tpu.memory_space<semaphore_mem>>)
            %dma_wait3A_181 = arith.constant 0 : i32
            %dma_wait3A_182 = arith.constant 0 : i32
            %dma_wait3A_183 = tpu.memref_slice %arg8[%run_scoped3A_146, %dma_wait3A_181, %dma_wait3A_182] : memref<3x1x200xi32, #tpu.memory_space<vmem>> -> memref<1x1x200xi32, #tpu.memory_space<vmem>>
            %dma_wait3A_184 = tpu.memref_squeeze %dma_wait3A_183 : memref<1x1x200xi32, #tpu.memory_space<vmem>> -> memref<1x200xi32, #tpu.memory_space<vmem>>
            %dma_wait3A_185 = arith.constant 0 : i32
            %dma_wait3A_186 = arith.constant 0 : i32
            %dma_wait3A_187 = tpu.memref_slice %arg4[%add3A_144, %dma_wait3A_185, %dma_wait3A_186] : memref<1600x1x200xi32, #tpu.memory_space<hbm>> -> memref<1x1x200xi32, #tpu.memory_space<hbm>>
            %dma_wait3A_188 = tpu.memref_squeeze %dma_wait3A_187 : memref<1x1x200xi32, #tpu.memory_space<hbm>> -> memref<1x200xi32, #tpu.memory_space<hbm>>
            %dma_wait3A_189 = arith.constant 0 : i32
            %dma_wait3A_190 = arith.constant 0 : i32
            %dma_wait3A_191 = tpu.memref_slice %arg8[%run_scoped3A_146, %dma_wait3A_189, %dma_wait3A_190] : memref<3x1x200xi32, #tpu.memory_space<vmem>> -> memref<1x1x200xi32, #tpu.memory_space<vmem>>
            %dma_wait3A_192 = tpu.memref_squeeze %dma_wait3A_191 : memref<1x1x200xi32, #tpu.memory_space<vmem>> -> memref<1x200xi32, #tpu.memory_space<vmem>>
            %dma_wait3A_193 = arith.constant 0 : i32
            %dma_wait3A_194 = arith.constant 0 : i32
            %dma_wait3A_195 = tpu.memref_slice %arg4[%add3A_144, %dma_wait3A_193, %dma_wait3A_194] : memref<1600x1x200xi32, #tpu.memory_space<hbm>> -> memref<1x1x200xi32, #tpu.memory_space<hbm>>
            %dma_wait3A_196 = tpu.memref_squeeze %dma_wait3A_195 : memref<1x1x200xi32, #tpu.memory_space<hbm>> -> memref<1x200xi32, #tpu.memory_space<hbm>>
            tpu.wait_dma2 semaphore(%run_scoped3A_164 : memref<!tpu.dma_semaphore, #tpu.memory_space<semaphore_mem>>) src(%dma_wait3A_196 : memref<1x200xi32, #tpu.memory_space<hbm>>) dst(%dma_wait3A_192 : memref<1x200xi32, #tpu.memory_space<vmem>>)
            tpu.yield
          }) : () -> ()
          %scan3A_147 = arith.constant 0 : i32
          %scan3A_148 = arith.constant 13 : i32
          %scan3A_149 = arith.addi %scan3A_147, %scan3A_148 : i32
          %scan3A_150 = arith.constant 1 : i32
          scf.for %scan3A_164 = %scan3A_147 to %scan3A_149 step %scan3A_150  : i32 {
            %mul3A_165 = arith.constant 16 : i32
            %mul3A_166 = arith.muli %scan3A_164, %mul3A_165 : i32
            %add3A_167 = arith.constant 0 : i32
            %add3A_168 = arith.addi %add3A_167, %mul3A_166 : i32
            %get3A = arith.constant 1 : i32
            %get3A_169 = arith.constant 0 : i32
            %get3A_170 = arith.index_cast %get3A : i32 to index
            %get3A_171 = arith.index_cast %get3A_169 : i32 to index
            %get3A_172 = arith.index_cast %add3A_168 : i32 to index
            %get3A_173 = tpu.vector_load %arg8[%get3A_170, %get3A_171, %get3A_172] {strides = array<i32>} : memref<3x1x200xi32, #tpu.memory_space<vmem>>, vector<16xi32>,
            %sub3A = vector.broadcast %mul3A_0 : i32 to vector<16xi32>
            %sub3A_174 = arith.subi %get3A_173, %sub3A : vector<16xi32>
            %ge3A_175 = arith.constant 0 : i32
            %ge3A_176 = vector.broadcast %ge3A_175 : i32 to vector<16xi32>
            %ge3A_177 = arith.cmpi sge, %sub3A_174, %ge3A_176 : vector<16xi32>
            %lt3A_178 = arith.constant 5000 : i32
            %lt3A_179 = vector.broadcast %lt3A_178 : i32 to vector<16xi32>
            %lt3A_180 = arith.cmpi slt, %sub3A_174, %lt3A_179 : vector<16xi32>
            %and3A = arith.andi %ge3A_177, %lt3A_180 : vector<16xi1>
            %jit3A = arith.constant 5000 : i32
            %broadcast_in_dim3A = vector.broadcast %jit3A : i32 to vector<16xi32>
            %select_n3A = arith.select %and3A, %sub3A_174, %broadcast_in_dim3A : vector<16xi1>, vector<16xi32>
            %swap3A = arith.constant 1 : i32
            %swap3A_181 = arith.constant 0 : i32
            %swap3A_182 = arith.index_cast %swap3A : i32 to index
            %swap3A_183 = arith.index_cast %swap3A_181 : i32 to index
            %swap3A_184 = arith.index_cast %add3A_168 : i32 to index
            %swap3A_185 = tpu.vector_load %arg9[%swap3A_182, %swap3A_183, %swap3A_184] {strides = array<i32>} : memref<3x1x200xi32, #tpu.memory_space<vmem>>, vector<16xi32>,
            tpu.vector_store %arg9[%swap3A_182, %swap3A_183, %swap3A_184], %select_n3A {strides = array<i32>} : memref<3x1x200xi32, #tpu.memory_space<vmem>>, vector<16xi32>,
          }
          %scan3A_151 = arith.constant 13 : i32
          %dma_start3A_152 = arith.constant 1 : i32
          %dma_start3A_153 = arith.constant 0 : i32
          %dma_start3A_154 = arith.constant 0 : i32
          %dma_start3A_155 = arith.constant 0 : i32
          %dma_start3A_156 = tpu.memref_slice %arg7[%dma_start3A_152, %dma_start3A_154, %dma_start3A_155] : memref<3x1x200xi32, #tpu.memory_space<vmem>> -> memref<1x1x200xi32, #tpu.memory_space<vmem>>
          %dma_start3A_157 = tpu.memref_squeeze %dma_start3A_156 : memref<1x1x200xi32, #tpu.memory_space<vmem>> -> memref<1x200xi32, #tpu.memory_space<vmem>>
          %dma_start3A_158 = arith.constant 0 : i32
          %dma_start3A_159 = tpu.memref_slice %dma_start3A_157[%dma_start3A_153, %dma_start3A_158] : memref<1x200xi32, #tpu.memory_space<vmem>> -> memref<1x200xi32, #tpu.memory_space<vmem>>
          %dma_start3A_160 = tpu.memref_squeeze %dma_start3A_159 : memref<1x200xi32, #tpu.memory_space<vmem>> -> memref<200xi32, #tpu.memory_space<vmem>>
          %dma_start3A_161 = arith.constant 0 : i32
          %dma_start3A_162 = arith.constant 0 : i32
          %dma_start3A_163 = tpu.memref_slice %arg2[%dma_start3A_161, %dma_start3A_162] : memref<10000x128xf32, #tpu.memory_space<hbm>> -> memref<10000x128xf32, #tpu.memory_space<hbm>>
          tpu.enqueue_indirect_dma source(%dma_start3A_163 : memref<10000x128xf32, #tpu.memory_space<hbm>>) target(%arg11 : memref<200x128xf32, #tpu.memory_space<vmem>>) offsets(%dma_start3A_160 : memref<200xi32, #tpu.memory_space<vmem>>) semaphore(%arg15 : memref<!tpu.dma_semaphore, #tpu.memory_space<semaphore_mem>>)
        } else {
        }
        %dma_wait3A_112 = arith.constant 2 : i32
        %dma_wait3A_113 = arith.constant 0 : i32
        %dma_wait3A_114 = arith.constant 0 : i32
        %dma_wait3A_115 = arith.constant 0 : i32
        %dma_wait3A_116 = tpu.memref_slice %arg7[%dma_wait3A_112, %dma_wait3A_114, %dma_wait3A_115] : memref<3x1x200xi32, #tpu.memory_space<vmem>> -> memref<1x1x200xi32, #tpu.memory_space<vmem>>
        %dma_wait3A_117 = tpu.memref_squeeze %dma_wait3A_116 : memref<1x1x200xi32, #tpu.memory_space<vmem>> -> memref<1x200xi32, #tpu.memory_space<vmem>>
        %dma_wait3A_118 = arith.constant 0 : i32
        %dma_wait3A_119 = tpu.memref_slice %dma_wait3A_117[%dma_wait3A_113, %dma_wait3A_118] : memref<1x200xi32, #tpu.memory_space<vmem>> -> memref<1x200xi32, #tpu.memory_space<vmem>>
        %dma_wait3A_120 = tpu.memref_squeeze %dma_wait3A_119 : memref<1x200xi32, #tpu.memory_space<vmem>> -> memref<200xi32, #tpu.memory_space<vmem>>
        %dma_wait3A_121 = arith.constant 0 : i32
        %dma_wait3A_122 = arith.constant 0 : i32
        %dma_wait3A_123 = tpu.memref_slice %arg2[%dma_wait3A_121, %dma_wait3A_122] : memref<10000x128xf32, #tpu.memory_space<hbm>> -> memref<10000x128xf32, #tpu.memory_space<hbm>>
        tpu.wait_indirect_dma semaphore(%arg16 : memref<!tpu.dma_semaphore, #tpu.memory_space<semaphore_mem>>) src(%dma_wait3A_123 : memref<10000x128xf32, #tpu.memory_space<hbm>>) dst(%arg12 : memref<200x128xf32, #tpu.memory_space<vmem>>)
        %dma_start3A_124 = arith.constant 2 : i32
        %dma_start3A_125 = arith.constant 0 : i32
        %dma_start3A_126 = arith.constant 0 : i32
        %dma_start3A_127 = arith.constant 0 : i32
        %dma_start3A_128 = tpu.memref_slice %arg9[%dma_start3A_124, %dma_start3A_126, %dma_start3A_127] : memref<3x1x200xi32, #tpu.memory_space<vmem>> -> memref<1x1x200xi32, #tpu.memory_space<vmem>>
        %dma_start3A_129 = tpu.memref_squeeze %dma_start3A_128 : memref<1x1x200xi32, #tpu.memory_space<vmem>> -> memref<1x200xi32, #tpu.memory_space<vmem>>
        %dma_start3A_130 = arith.constant 0 : i32
        %dma_start3A_131 = tpu.memref_slice %dma_start3A_129[%dma_start3A_125, %dma_start3A_130] : memref<1x200xi32, #tpu.memory_space<vmem>> -> memref<1x200xi32, #tpu.memory_space<vmem>>
        %dma_start3A_132 = tpu.memref_squeeze %dma_start3A_131 : memref<1x200xi32, #tpu.memory_space<vmem>> -> memref<200xi32, #tpu.memory_space<vmem>>
        %dma_start3A_133 = arith.constant 0 : i32
        %dma_start3A_134 = arith.constant 0 : i32
        %dma_start3A_135 = tpu.memref_slice %arg13[%dma_start3A_133, %dma_start3A_134] : memref<5120x128xf32, #tpu.memory_space<vmem_shared>> -> memref<5120x128xf32, #tpu.memory_space<vmem_shared>>
        tpu.enqueue_indirect_dma source(%arg12 : memref<200x128xf32, #tpu.memory_space<vmem>>) target(%dma_start3A_135 : memref<5120x128xf32, #tpu.memory_space<vmem_shared>>) offsets(%dma_start3A_132 : memref<200xi32, #tpu.memory_space<vmem>>) semaphore(%arg19 : memref<!tpu.dma_semaphore, #tpu.memory_space<semaphore_mem>>) {add = true}
      } else {
      }
    }
    %scan3A_45 = arith.constant 34 : i32
    %dma_wait3A = arith.constant 0 : i32
    %dma_wait3A_46 = arith.constant 0 : i32
    %dma_wait3A_47 = arith.constant 0 : i32
    %dma_wait3A_48 = arith.constant 0 : i32
    %dma_wait3A_49 = tpu.memref_slice %arg9[%dma_wait3A, %dma_wait3A_47, %dma_wait3A_48] : memref<3x1x200xi32, #tpu.memory_space<vmem>> -> memref<1x1x200xi32, #tpu.memory_space<vmem>>
    %dma_wait3A_50 = tpu.memref_squeeze %dma_wait3A_49 : memref<1x1x200xi32, #tpu.memory_space<vmem>> -> memref<1x200xi32, #tpu.memory_space<vmem>>
    %dma_wait3A_51 = arith.constant 0 : i32
    %dma_wait3A_52 = tpu.memref_slice %dma_wait3A_50[%dma_wait3A_46, %dma_wait3A_51] : memref<1x200xi32, #tpu.memory_space<vmem>> -> memref<1x200xi32, #tpu.memory_space<vmem>>
    %dma_wait3A_53 = tpu.memref_squeeze %dma_wait3A_52 : memref<1x200xi32, #tpu.memory_space<vmem>> -> memref<200xi32, #tpu.memory_space<vmem>>
    %dma_wait3A_54 = arith.constant 0 : i32
    %dma_wait3A_55 = arith.constant 0 : i32
    %dma_wait3A_56 = tpu.memref_slice %arg13[%dma_wait3A_54, %dma_wait3A_55] : memref<5120x128xf32, #tpu.memory_space<vmem_shared>> -> memref<5120x128xf32, #tpu.memory_space<vmem_shared>>
    tpu.wait_indirect_dma semaphore(%arg17 : memref<!tpu.dma_semaphore, #tpu.memory_space<semaphore_mem>>) src(%arg10 : memref<200x128xf32, #tpu.memory_space<vmem>>) dst(%dma_wait3A_56 : memref<5120x128xf32, #tpu.memory_space<vmem_shared>>)
    %dma_wait3A_57 = arith.constant 2 : i32
    %dma_wait3A_58 = arith.constant 0 : i32
    %dma_wait3A_59 = arith.constant 0 : i32
    %dma_wait3A_60 = arith.constant 0 : i32
    %dma_wait3A_61 = tpu.memref_slice %arg9[%dma_wait3A_57, %dma_wait3A_59, %dma_wait3A_60] : memref<3x1x200xi32, #tpu.memory_space<vmem>> -> memref<1x1x200xi32, #tpu.memory_space<vmem>>
    %dma_wait3A_62 = tpu.memref_squeeze %dma_wait3A_61 : memref<1x1x200xi32, #tpu.memory_space<vmem>> -> memref<1x200xi32, #tpu.memory_space<vmem>>
    %dma_wait3A_63 = arith.constant 0 : i32
    %dma_wait3A_64 = tpu.memref_slice %dma_wait3A_62[%dma_wait3A_58, %dma_wait3A_63] : memref<1x200xi32, #tpu.memory_space<vmem>> -> memref<1x200xi32, #tpu.memory_space<vmem>>
    %dma_wait3A_65 = tpu.memref_squeeze %dma_wait3A_64 : memref<1x200xi32, #tpu.memory_space<vmem>> -> memref<200xi32, #tpu.memory_space<vmem>>
    %dma_wait3A_66 = arith.constant 0 : i32
    %dma_wait3A_67 = arith.constant 0 : i32
    %dma_wait3A_68 = tpu.memref_slice %arg13[%dma_wait3A_66, %dma_wait3A_67] : memref<5120x128xf32, #tpu.memory_space<vmem_shared>> -> memref<5120x128xf32, #tpu.memory_space<vmem_shared>>
    tpu.wait_indirect_dma semaphore(%arg19 : memref<!tpu.dma_semaphore, #tpu.memory_space<semaphore_mem>>) src(%arg12 : memref<200x128xf32, #tpu.memory_space<vmem>>) dst(%dma_wait3A_68 : memref<5120x128xf32, #tpu.memory_space<vmem_shared>>)
    %dma_wait3A_69 = arith.constant 1 : i32
    %dma_wait3A_70 = arith.constant 0 : i32
    %dma_wait3A_71 = arith.constant 0 : i32
    %dma_wait3A_72 = arith.constant 0 : i32
    %dma_wait3A_73 = tpu.memref_slice %arg9[%dma_wait3A_69, %dma_wait3A_71, %dma_wait3A_72] : memref<3x1x200xi32, #tpu.memory_space<vmem>> -> memref<1x1x200xi32, #tpu.memory_space<vmem>>
    %dma_wait3A_74 = tpu.memref_squeeze %dma_wait3A_73 : memref<1x1x200xi32, #tpu.memory_space<vmem>> -> memref<1x200xi32, #tpu.memory_space<vmem>>
    %dma_wait3A_75 = arith.constant 0 : i32
    %dma_wait3A_76 = tpu.memref_slice %dma_wait3A_74[%dma_wait3A_70, %dma_wait3A_75] : memref<1x200xi32, #tpu.memory_space<vmem>> -> memref<1x200xi32, #tpu.memory_space<vmem>>
    %dma_wait3A_77 = tpu.memref_squeeze %dma_wait3A_76 : memref<1x200xi32, #tpu.memory_space<vmem>> -> memref<200xi32, #tpu.memory_space<vmem>>
    %dma_wait3A_78 = arith.constant 0 : i32
    %dma_wait3A_79 = arith.constant 0 : i32
    %dma_wait3A_80 = tpu.memref_slice %arg13[%dma_wait3A_78, %dma_wait3A_79] : memref<5120x128xf32, #tpu.memory_space<vmem_shared>> -> memref<5120x128xf32, #tpu.memory_space<vmem_shared>>
    tpu.wait_indirect_dma semaphore(%arg18 : memref<!tpu.dma_semaphore, #tpu.memory_space<semaphore_mem>>) src(%arg11 : memref<200x128xf32, #tpu.memory_space<vmem>>) dst(%dma_wait3A_80 : memref<5120x128xf32, #tpu.memory_space<vmem_shared>>)
    %barrier3A_81 = arith.constant 0 : index
    tpu.barrier barrier_id(%barrier3A_81)
    "tpu.region"() ({
      %run_scoped3A_82 = tpu.sem_alloc : memref<!tpu.dma_semaphore, #tpu.memory_space<semaphore_mem>>
      %dma_start3A_83 = arith.constant 0 : i32
      %dma_start3A_84 = arith.constant 0 : i32
      %dma_start3A_85 = tpu.memref_slice %arg6[%arg0, %dma_start3A_83, %dma_start3A_84] : memref<2x5120x128xf32, #tpu.memory_space<hbm>> -> memref<1x5120x128xf32, #tpu.memory_space<hbm>>
      %dma_start3A_86 = tpu.memref_squeeze %dma_start3A_85 : memref<1x5120x128xf32, #tpu.memory_space<hbm>> -> memref<5120x128xf32, #tpu.memory_space<hbm>>
      %dma_start3A_87 = arith.constant 0 : i32
      %dma_start3A_88 = tpu.memref_slice %dma_start3A_86[%multiple_of3A, %dma_start3A_87] : memref<5120x128xf32, #tpu.memory_space<hbm>> -> memref<320x128xf32, #tpu.memory_space<hbm>>
      %dma_start3A_89 = arith.constant 0 : i32
      %dma_start3A_90 = tpu.memref_slice %arg13[%multiple_of3A, %dma_start3A_89] : memref<5120x128xf32, #tpu.memory_space<vmem_shared>> -> memref<320x128xf32, #tpu.memory_space<vmem_shared>>
      tpu.enqueue_dma source(%dma_start3A_90 : memref<320x128xf32, #tpu.memory_space<vmem_shared>>) target(%dma_start3A_88 : memref<320x128xf32, #tpu.memory_space<hbm>>) target_semaphore(%run_scoped3A_82 : memref<!tpu.dma_semaphore, #tpu.memory_space<semaphore_mem>>)
      %dma_wait3A_91 = arith.constant 0 : i32
      %dma_wait3A_92 = arith.constant 0 : i32
      %dma_wait3A_93 = tpu.memref_slice %arg6[%arg0, %dma_wait3A_91, %dma_wait3A_92] : memref<2x5120x128xf32, #tpu.memory_space<hbm>> -> memref<1x5120x128xf32, #tpu.memory_space<hbm>>
      %dma_wait3A_94 = tpu.memref_squeeze %dma_wait3A_93 : memref<1x5120x128xf32, #tpu.memory_space<hbm>> -> memref<5120x128xf32, #tpu.memory_space<hbm>>
      %dma_wait3A_95 = arith.constant 0 : i32
      %dma_wait3A_96 = tpu.memref_slice %dma_wait3A_94[%multiple_of3A, %dma_wait3A_95] : memref<5120x128xf32, #tpu.memory_space<hbm>> -> memref<320x128xf32, #tpu.memory_space<hbm>>
      %dma_wait3A_97 = arith.constant 0 : i32
      %dma_wait3A_98 = tpu.memref_slice %arg13[%multiple_of3A, %dma_wait3A_97] : memref<5120x128xf32, #tpu.memory_space<vmem_shared>> -> memref<320x128xf32, #tpu.memory_space<vmem_shared>>
      tpu.wait_dma2 semaphore(%run_scoped3A_82 : memref<!tpu.dma_semaphore, #tpu.memory_space<semaphore_mem>>) src(%dma_wait3A_98 : memref<320x128xf32, #tpu.memory_space<vmem_shared>>) dst(%dma_wait3A_96 : memref<320x128xf32, #tpu.memory_space<hbm>>)
      tpu.yield
    }) : () -> ()
    return
  }
}

#map = affine_map<(d0, d1) -> (0, 0, 0)>
module attributes {stable_mosaic.version = 14 : i64} {
  func.func @deg_kernel(%arg0: i32, %arg1: i32, %arg2: memref<32x1x10000xi32, #tpu.memory_space<hbm>>, %arg3: memref<32x1x10000xi32, #tpu.memory_space<hbm>>, %arg4: memref<32x1x10000xf32, #tpu.memory_space<hbm>>, %arg5: memref<32x1x10000xf32, #tpu.memory_space<hbm>>, %arg6: memref<1x10000xi32, #tpu.memory_space<vmem>>, %arg7: memref<1x10000xi32, #tpu.memory_space<vmem>>, %arg8: memref<1x10000xf32, #tpu.memory_space<vmem>>, %arg9: memref<1x10000xf32, #tpu.memory_space<vmem>>) attributes {dimension_semantics = [#tpu.dimension_semantics<core_parallel>, #tpu.dimension_semantics<subcore_parallel>], iteration_bounds = array<i64: 2, 16>, scalar_prefetch = 0 : i64, scratch_operands = 4 : i64, tpu.core_type = #tpu.core_type<sc_vector_subcore>, window_params = [{transform_indices = #map}, {transform_indices = #map}, {transform_indices = #map}, {transform_indices = #map}]} {
    %mul3A = arith.constant 2 : i32
    %mul3A_0 = arith.muli %arg1, %mul3A : i32
    %add3A = arith.addi %mul3A_0, %arg0 : i32
    "tpu.region"() ({
      %run_scoped3A = tpu.sem_alloc : memref<!tpu.dma_semaphore, #tpu.memory_space<semaphore_mem>>
      %dma_start3A = arith.constant 0 : i32
      %dma_start3A_13 = arith.constant 0 : i32
      %dma_start3A_14 = tpu.memref_slice %arg2[%add3A, %dma_start3A, %dma_start3A_13] : memref<32x1x10000xi32, #tpu.memory_space<hbm>> -> memref<1x1x10000xi32, #tpu.memory_space<hbm>>
      %dma_start3A_15 = tpu.memref_squeeze %dma_start3A_14 : memref<1x1x10000xi32, #tpu.memory_space<hbm>> -> memref<1x10000xi32, #tpu.memory_space<hbm>>
      %dma_start3A_16 = arith.constant 0 : i32
      %dma_start3A_17 = arith.constant 0 : i32
      %dma_start3A_18 = tpu.memref_slice %arg2[%add3A, %dma_start3A_16, %dma_start3A_17] : memref<32x1x10000xi32, #tpu.memory_space<hbm>> -> memref<1x1x10000xi32, #tpu.memory_space<hbm>>
      %dma_start3A_19 = tpu.memref_squeeze %dma_start3A_18 : memref<1x1x10000xi32, #tpu.memory_space<hbm>> -> memref<1x10000xi32, #tpu.memory_space<hbm>>
      tpu.enqueue_dma source(%dma_start3A_19 : memref<1x10000xi32, #tpu.memory_space<hbm>>) target(%arg6 : memref<1x10000xi32, #tpu.memory_space<vmem>>) target_semaphore(%run_scoped3A : memref<!tpu.dma_semaphore, #tpu.memory_space<semaphore_mem>>)
      %dma_wait3A = arith.constant 0 : i32
      %dma_wait3A_20 = arith.constant 0 : i32
      %dma_wait3A_21 = tpu.memref_slice %arg2[%add3A, %dma_wait3A, %dma_wait3A_20] : memref<32x1x10000xi32, #tpu.memory_space<hbm>> -> memref<1x1x10000xi32, #tpu.memory_space<hbm>>
      %dma_wait3A_22 = tpu.memref_squeeze %dma_wait3A_21 : memref<1x1x10000xi32, #tpu.memory_space<hbm>> -> memref<1x10000xi32, #tpu.memory_space<hbm>>
      %dma_wait3A_23 = arith.constant 0 : i32
      %dma_wait3A_24 = arith.constant 0 : i32
      %dma_wait3A_25 = tpu.memref_slice %arg2[%add3A, %dma_wait3A_23, %dma_wait3A_24] : memref<32x1x10000xi32, #tpu.memory_space<hbm>> -> memref<1x1x10000xi32, #tpu.memory_space<hbm>>
      %dma_wait3A_26 = tpu.memref_squeeze %dma_wait3A_25 : memref<1x1x10000xi32, #tpu.memory_space<hbm>> -> memref<1x10000xi32, #tpu.memory_space<hbm>>
      tpu.wait_dma2 semaphore(%run_scoped3A : memref<!tpu.dma_semaphore, #tpu.memory_space<semaphore_mem>>) src(%dma_wait3A_26 : memref<1x10000xi32, #tpu.memory_space<hbm>>) dst(%arg6 : memref<1x10000xi32, #tpu.memory_space<vmem>>)
      tpu.yield
    }) : () -> ()
    "tpu.region"() ({
      %run_scoped3A = tpu.sem_alloc : memref<!tpu.dma_semaphore, #tpu.memory_space<semaphore_mem>>
      %dma_start3A = arith.constant 0 : i32
      %dma_start3A_13 = arith.constant 0 : i32
      %dma_start3A_14 = tpu.memref_slice %arg3[%add3A, %dma_start3A, %dma_start3A_13] : memref<32x1x10000xi32, #tpu.memory_space<hbm>> -> memref<1x1x10000xi32, #tpu.memory_space<hbm>>
      %dma_start3A_15 = tpu.memref_squeeze %dma_start3A_14 : memref<1x1x10000xi32, #tpu.memory_space<hbm>> -> memref<1x10000xi32, #tpu.memory_space<hbm>>
      %dma_start3A_16 = arith.constant 0 : i32
      %dma_start3A_17 = arith.constant 0 : i32
      %dma_start3A_18 = tpu.memref_slice %arg3[%add3A, %dma_start3A_16, %dma_start3A_17] : memref<32x1x10000xi32, #tpu.memory_space<hbm>> -> memref<1x1x10000xi32, #tpu.memory_space<hbm>>
      %dma_start3A_19 = tpu.memref_squeeze %dma_start3A_18 : memref<1x1x10000xi32, #tpu.memory_space<hbm>> -> memref<1x10000xi32, #tpu.memory_space<hbm>>
      tpu.enqueue_dma source(%dma_start3A_19 : memref<1x10000xi32, #tpu.memory_space<hbm>>) target(%arg7 : memref<1x10000xi32, #tpu.memory_space<vmem>>) target_semaphore(%run_scoped3A : memref<!tpu.dma_semaphore, #tpu.memory_space<semaphore_mem>>)
      %dma_wait3A = arith.constant 0 : i32
      %dma_wait3A_20 = arith.constant 0 : i32
      %dma_wait3A_21 = tpu.memref_slice %arg3[%add3A, %dma_wait3A, %dma_wait3A_20] : memref<32x1x10000xi32, #tpu.memory_space<hbm>> -> memref<1x1x10000xi32, #tpu.memory_space<hbm>>
      %dma_wait3A_22 = tpu.memref_squeeze %dma_wait3A_21 : memref<1x1x10000xi32, #tpu.memory_space<hbm>> -> memref<1x10000xi32, #tpu.memory_space<hbm>>
      %dma_wait3A_23 = arith.constant 0 : i32
      %dma_wait3A_24 = arith.constant 0 : i32
      %dma_wait3A_25 = tpu.memref_slice %arg3[%add3A, %dma_wait3A_23, %dma_wait3A_24] : memref<32x1x10000xi32, #tpu.memory_space<hbm>> -> memref<1x1x10000xi32, #tpu.memory_space<hbm>>
      %dma_wait3A_26 = tpu.memref_squeeze %dma_wait3A_25 : memref<1x1x10000xi32, #tpu.memory_space<hbm>> -> memref<1x10000xi32, #tpu.memory_space<hbm>>
      tpu.wait_dma2 semaphore(%run_scoped3A : memref<!tpu.dma_semaphore, #tpu.memory_space<semaphore_mem>>) src(%dma_wait3A_26 : memref<1x10000xi32, #tpu.memory_space<hbm>>) dst(%arg7 : memref<1x10000xi32, #tpu.memory_space<vmem>>)
      tpu.yield
    }) : () -> ()
    %broadcast_in_dim3A = arith.constant 0.000000e+00 : f32
    %broadcast_in_dim3A_1 = vector.broadcast %broadcast_in_dim3A : f32 to vector<16xf32>
    %broadcast_in_dim3A_2 = arith.constant 1.000000e+00 : f32
    %broadcast_in_dim3A_3 = vector.broadcast %broadcast_in_dim3A_2 : f32 to vector<16xf32>
    %scan3A = arith.constant 0 : i32
    %scan3A_4 = arith.constant 625 : i32
    %scan3A_5 = arith.addi %scan3A, %scan3A_4 : i32
    %scan3A_6 = arith.constant 1 : i32
    scf.for %scan3A_13 = %scan3A to %scan3A_5 step %scan3A_6  : i32 {
      %mul3A_14 = arith.constant 16 : i32
      %mul3A_15 = arith.muli %scan3A_13, %mul3A_14 : i32
      %add3A_16 = arith.constant 0 : i32
      %add3A_17 = arith.addi %add3A_16, %mul3A_15 : i32
      %swap3A = arith.constant 0 : i32
      %swap3A_18 = arith.index_cast %swap3A : i32 to index
      %swap3A_19 = arith.index_cast %add3A_17 : i32 to index
      %swap3A_20 = tpu.vector_load %arg8[%swap3A_18, %swap3A_19] {strides = array<i32>} : memref<1x10000xf32, #tpu.memory_space<vmem>>, vector<16xf32>,
      tpu.vector_store %arg8[%swap3A_18, %swap3A_19], %broadcast_in_dim3A_1 {strides = array<i32>} : memref<1x10000xf32, #tpu.memory_space<vmem>>, vector<16xf32>,
      %swap3A_21 = arith.constant 0 : i32
      %swap3A_22 = arith.index_cast %swap3A_21 : i32 to index
      %swap3A_23 = arith.index_cast %add3A_17 : i32 to index
      %swap3A_24 = tpu.vector_load %arg9[%swap3A_22, %swap3A_23] {strides = array<i32>} : memref<1x10000xf32, #tpu.memory_space<vmem>>, vector<16xf32>,
      tpu.vector_store %arg9[%swap3A_22, %swap3A_23], %broadcast_in_dim3A_1 {strides = array<i32>} : memref<1x10000xf32, #tpu.memory_space<vmem>>, vector<16xf32>,
    }
    %scan3A_7 = arith.constant 625 : i32
    %scan3A_8 = arith.constant 0 : i32
    %scan3A_9 = arith.constant 625 : i32
    %scan3A_10 = arith.addi %scan3A_8, %scan3A_9 : i32
    %scan3A_11 = arith.constant 1 : i32
    scf.for %scan3A_13 = %scan3A_8 to %scan3A_10 step %scan3A_11  : i32 {
      %mul3A_14 = arith.constant 16 : i32
      %mul3A_15 = arith.muli %scan3A_13, %mul3A_14 : i32
      %add3A_16 = arith.constant 0 : i32
      %add3A_17 = arith.addi %add3A_16, %mul3A_15 : i32
      %get3A = arith.constant 0 : i32
      %get3A_18 = arith.index_cast %get3A : i32 to index
      %get3A_19 = arith.index_cast %add3A_17 : i32 to index
      %get3A_20 = tpu.vector_load %arg6[%get3A_18, %get3A_19] {strides = array<i32>} : memref<1x10000xi32, #tpu.memory_space<vmem>>, vector<16xi32>,
      %get3A_21 = arith.constant 0 : i32
      %get3A_22 = arith.index_cast %get3A_21 : i32 to index
      %get3A_23 = arith.index_cast %add3A_17 : i32 to index
      %get3A_24 = tpu.vector_load %arg7[%get3A_22, %get3A_23] {strides = array<i32>} : memref<1x10000xi32, #tpu.memory_space<vmem>>, vector<16xi32>,
      %scatter3A = arith.constant 0 : i32
      %scatter3A_25 = arith.constant 0 : i32
      %scatter3A_26 = tpu.memref_slice %arg8[%scatter3A, %scatter3A_25] : memref<1x10000xf32, #tpu.memory_space<vmem>> -> memref<1x10000xf32, #tpu.memory_space<vmem>>
      %scatter3A_27 = tpu.memref_squeeze %scatter3A_26 : memref<1x10000xf32, #tpu.memory_space<vmem>> -> memref<10000xf32, #tpu.memory_space<vmem>>
      tpu.vector_store_idx %scatter3A_27[%get3A_20], %broadcast_in_dim3A_3 {add = true} : memref<10000xf32, #tpu.memory_space<vmem>>[vector<16xi32>], vector<16xf32>,
      %scatter3A_28 = arith.constant 0 : i32
      %scatter3A_29 = arith.constant 0 : i32
      %scatter3A_30 = tpu.memref_slice %arg9[%scatter3A_28, %scatter3A_29] : memref<1x10000xf32, #tpu.memory_space<vmem>> -> memref<1x10000xf32, #tpu.memory_space<vmem>>
      %scatter3A_31 = tpu.memref_squeeze %scatter3A_30 : memref<1x10000xf32, #tpu.memory_space<vmem>> -> memref<10000xf32, #tpu.memory_space<vmem>>
      tpu.vector_store_idx %scatter3A_31[%get3A_24], %broadcast_in_dim3A_3 {add = true} : memref<10000xf32, #tpu.memory_space<vmem>>[vector<16xi32>], vector<16xf32>,
    }
    %scan3A_12 = arith.constant 625 : i32
    "tpu.region"() ({
      %run_scoped3A = tpu.sem_alloc : memref<!tpu.dma_semaphore, #tpu.memory_space<semaphore_mem>>
      %dma_start3A = arith.constant 0 : i32
      %dma_start3A_13 = arith.constant 0 : i32
      %dma_start3A_14 = tpu.memref_slice %arg4[%add3A, %dma_start3A, %dma_start3A_13] : memref<32x1x10000xf32, #tpu.memory_space<hbm>> -> memref<1x1x10000xf32, #tpu.memory_space<hbm>>
      %dma_start3A_15 = tpu.memref_squeeze %dma_start3A_14 : memref<1x1x10000xf32, #tpu.memory_space<hbm>> -> memref<1x10000xf32, #tpu.memory_space<hbm>>
      %dma_start3A_16 = arith.constant 0 : i32
      %dma_start3A_17 = arith.constant 0 : i32
      %dma_start3A_18 = tpu.memref_slice %arg4[%add3A, %dma_start3A_16, %dma_start3A_17] : memref<32x1x10000xf32, #tpu.memory_space<hbm>> -> memref<1x1x10000xf32, #tpu.memory_space<hbm>>
      %dma_start3A_19 = tpu.memref_squeeze %dma_start3A_18 : memref<1x1x10000xf32, #tpu.memory_space<hbm>> -> memref<1x10000xf32, #tpu.memory_space<hbm>>
      tpu.enqueue_dma source(%arg8 : memref<1x10000xf32, #tpu.memory_space<vmem>>) target(%dma_start3A_19 : memref<1x10000xf32, #tpu.memory_space<hbm>>) target_semaphore(%run_scoped3A : memref<!tpu.dma_semaphore, #tpu.memory_space<semaphore_mem>>)
      %dma_wait3A = arith.constant 0 : i32
      %dma_wait3A_20 = arith.constant 0 : i32
      %dma_wait3A_21 = tpu.memref_slice %arg4[%add3A, %dma_wait3A, %dma_wait3A_20] : memref<32x1x10000xf32, #tpu.memory_space<hbm>> -> memref<1x1x10000xf32, #tpu.memory_space<hbm>>
      %dma_wait3A_22 = tpu.memref_squeeze %dma_wait3A_21 : memref<1x1x10000xf32, #tpu.memory_space<hbm>> -> memref<1x10000xf32, #tpu.memory_space<hbm>>
      %dma_wait3A_23 = arith.constant 0 : i32
      %dma_wait3A_24 = arith.constant 0 : i32
      %dma_wait3A_25 = tpu.memref_slice %arg4[%add3A, %dma_wait3A_23, %dma_wait3A_24] : memref<32x1x10000xf32, #tpu.memory_space<hbm>> -> memref<1x1x10000xf32, #tpu.memory_space<hbm>>
      %dma_wait3A_26 = tpu.memref_squeeze %dma_wait3A_25 : memref<1x1x10000xf32, #tpu.memory_space<hbm>> -> memref<1x10000xf32, #tpu.memory_space<hbm>>
      tpu.wait_dma2 semaphore(%run_scoped3A : memref<!tpu.dma_semaphore, #tpu.memory_space<semaphore_mem>>) src(%arg8 : memref<1x10000xf32, #tpu.memory_space<vmem>>) dst(%dma_wait3A_26 : memref<1x10000xf32, #tpu.memory_space<hbm>>)
      tpu.yield
    }) : () -> ()
    "tpu.region"() ({
      %run_scoped3A = tpu.sem_alloc : memref<!tpu.dma_semaphore, #tpu.memory_space<semaphore_mem>>
      %dma_start3A = arith.constant 0 : i32
      %dma_start3A_13 = arith.constant 0 : i32
      %dma_start3A_14 = tpu.memref_slice %arg5[%add3A, %dma_start3A, %dma_start3A_13] : memref<32x1x10000xf32, #tpu.memory_space<hbm>> -> memref<1x1x10000xf32, #tpu.memory_space<hbm>>
      %dma_start3A_15 = tpu.memref_squeeze %dma_start3A_14 : memref<1x1x10000xf32, #tpu.memory_space<hbm>> -> memref<1x10000xf32, #tpu.memory_space<hbm>>
      %dma_start3A_16 = arith.constant 0 : i32
      %dma_start3A_17 = arith.constant 0 : i32
      %dma_start3A_18 = tpu.memref_slice %arg5[%add3A, %dma_start3A_16, %dma_start3A_17] : memref<32x1x10000xf32, #tpu.memory_space<hbm>> -> memref<1x1x10000xf32, #tpu.memory_space<hbm>>
      %dma_start3A_19 = tpu.memref_squeeze %dma_start3A_18 : memref<1x1x10000xf32, #tpu.memory_space<hbm>> -> memref<1x10000xf32, #tpu.memory_space<hbm>>
      tpu.enqueue_dma source(%arg9 : memref<1x10000xf32, #tpu.memory_space<vmem>>) target(%dma_start3A_19 : memref<1x10000xf32, #tpu.memory_space<hbm>>) target_semaphore(%run_scoped3A : memref<!tpu.dma_semaphore, #tpu.memory_space<semaphore_mem>>)
      %dma_wait3A = arith.constant 0 : i32
      %dma_wait3A_20 = arith.constant 0 : i32
      %dma_wait3A_21 = tpu.memref_slice %arg5[%add3A, %dma_wait3A, %dma_wait3A_20] : memref<32x1x10000xf32, #tpu.memory_space<hbm>> -> memref<1x1x10000xf32, #tpu.memory_space<hbm>>
      %dma_wait3A_22 = tpu.memref_squeeze %dma_wait3A_21 : memref<1x1x10000xf32, #tpu.memory_space<hbm>> -> memref<1x10000xf32, #tpu.memory_space<hbm>>
      %dma_wait3A_23 = arith.constant 0 : i32
      %dma_wait3A_24 = arith.constant 0 : i32
      %dma_wait3A_25 = tpu.memref_slice %arg5[%add3A, %dma_wait3A_23, %dma_wait3A_24] : memref<32x1x10000xf32, #tpu.memory_space<hbm>> -> memref<1x1x10000xf32, #tpu.memory_space<hbm>>
      %dma_wait3A_26 = tpu.memref_squeeze %dma_wait3A_25 : memref<1x1x10000xf32, #tpu.memory_space<hbm>> -> memref<1x10000xf32, #tpu.memory_space<hbm>>
      tpu.wait_dma2 semaphore(%run_scoped3A : memref<!tpu.dma_semaphore, #tpu.memory_space<semaphore_mem>>) src(%arg9 : memref<1x10000xf32, #tpu.memory_space<vmem>>) dst(%dma_wait3A_26 : memref<1x10000xf32, #tpu.memory_space<hbm>>)
      tpu.yield
    }) : () -> ()
    return
  }
}

#map = affine_map<(d0, d1) -> (0, 0)>
#map1 = affine_map<(d0, d1) -> (0, 0, 0)>
module attributes {stable_mosaic.version = 14 : i64} {
  func.func @seg2_kernel(%arg0: i32, %arg1: i32, %arg2: memref<1x10000xf32, #tpu.memory_space<hbm>>, %arg3: memref<32x1x10000xi32, #tpu.memory_space<hbm>>, %arg4: memref<32x1x10000xi32, #tpu.memory_space<hbm>>, %arg5: memref<32x1x10000xf32, #tpu.memory_space<hbm>>, %arg6: memref<1x10000xf32, #tpu.memory_space<vmem>>, %arg7: memref<1x10000xi32, #tpu.memory_space<vmem>>, %arg8: memref<1x10000xi32, #tpu.memory_space<vmem>>, %arg9: memref<1x10000xf32, #tpu.memory_space<vmem>>) attributes {dimension_semantics = [#tpu.dimension_semantics<core_parallel>, #tpu.dimension_semantics<subcore_parallel>], iteration_bounds = array<i64: 2, 16>, scalar_prefetch = 0 : i64, scratch_operands = 4 : i64, tpu.core_type = #tpu.core_type<sc_vector_subcore>, window_params = [{transform_indices = #map}, {transform_indices = #map1}, {transform_indices = #map1}, {transform_indices = #map1}]} {
    %mul3A = arith.constant 2 : i32
    %mul3A_0 = arith.muli %arg1, %mul3A : i32
    %add3A = arith.addi %mul3A_0, %arg0 : i32
    "tpu.region"() ({
      %run_scoped3A = tpu.sem_alloc : memref<!tpu.dma_semaphore, #tpu.memory_space<semaphore_mem>>
      tpu.enqueue_dma source(%arg2 : memref<1x10000xf32, #tpu.memory_space<hbm>>) target(%arg6 : memref<1x10000xf32, #tpu.memory_space<vmem>>) target_semaphore(%run_scoped3A : memref<!tpu.dma_semaphore, #tpu.memory_space<semaphore_mem>>)
      tpu.wait_dma2 semaphore(%run_scoped3A : memref<!tpu.dma_semaphore, #tpu.memory_space<semaphore_mem>>) src(%arg2 : memref<1x10000xf32, #tpu.memory_space<hbm>>) dst(%arg6 : memref<1x10000xf32, #tpu.memory_space<vmem>>)
      tpu.yield
    }) : () -> ()
    "tpu.region"() ({
      %run_scoped3A = tpu.sem_alloc : memref<!tpu.dma_semaphore, #tpu.memory_space<semaphore_mem>>
      %dma_start3A = arith.constant 0 : i32
      %dma_start3A_11 = arith.constant 0 : i32
      %dma_start3A_12 = tpu.memref_slice %arg3[%add3A, %dma_start3A, %dma_start3A_11] : memref<32x1x10000xi32, #tpu.memory_space<hbm>> -> memref<1x1x10000xi32, #tpu.memory_space<hbm>>
      %dma_start3A_13 = tpu.memref_squeeze %dma_start3A_12 : memref<1x1x10000xi32, #tpu.memory_space<hbm>> -> memref<1x10000xi32, #tpu.memory_space<hbm>>
      %dma_start3A_14 = arith.constant 0 : i32
      %dma_start3A_15 = arith.constant 0 : i32
      %dma_start3A_16 = tpu.memref_slice %arg3[%add3A, %dma_start3A_14, %dma_start3A_15] : memref<32x1x10000xi32, #tpu.memory_space<hbm>> -> memref<1x1x10000xi32, #tpu.memory_space<hbm>>
      %dma_start3A_17 = tpu.memref_squeeze %dma_start3A_16 : memref<1x1x10000xi32, #tpu.memory_space<hbm>> -> memref<1x10000xi32, #tpu.memory_space<hbm>>
      tpu.enqueue_dma source(%dma_start3A_17 : memref<1x10000xi32, #tpu.memory_space<hbm>>) target(%arg7 : memref<1x10000xi32, #tpu.memory_space<vmem>>) target_semaphore(%run_scoped3A : memref<!tpu.dma_semaphore, #tpu.memory_space<semaphore_mem>>)
      %dma_wait3A = arith.constant 0 : i32
      %dma_wait3A_18 = arith.constant 0 : i32
      %dma_wait3A_19 = tpu.memref_slice %arg3[%add3A, %dma_wait3A, %dma_wait3A_18] : memref<32x1x10000xi32, #tpu.memory_space<hbm>> -> memref<1x1x10000xi32, #tpu.memory_space<hbm>>
      %dma_wait3A_20 = tpu.memref_squeeze %dma_wait3A_19 : memref<1x1x10000xi32, #tpu.memory_space<hbm>> -> memref<1x10000xi32, #tpu.memory_space<hbm>>
      %dma_wait3A_21 = arith.constant 0 : i32
      %dma_wait3A_22 = arith.constant 0 : i32
      %dma_wait3A_23 = tpu.memref_slice %arg3[%add3A, %dma_wait3A_21, %dma_wait3A_22] : memref<32x1x10000xi32, #tpu.memory_space<hbm>> -> memref<1x1x10000xi32, #tpu.memory_space<hbm>>
      %dma_wait3A_24 = tpu.memref_squeeze %dma_wait3A_23 : memref<1x1x10000xi32, #tpu.memory_space<hbm>> -> memref<1x10000xi32, #tpu.memory_space<hbm>>
      tpu.wait_dma2 semaphore(%run_scoped3A : memref<!tpu.dma_semaphore, #tpu.memory_space<semaphore_mem>>) src(%dma_wait3A_24 : memref<1x10000xi32, #tpu.memory_space<hbm>>) dst(%arg7 : memref<1x10000xi32, #tpu.memory_space<vmem>>)
      tpu.yield
    }) : () -> ()
    "tpu.region"() ({
      %run_scoped3A = tpu.sem_alloc : memref<!tpu.dma_semaphore, #tpu.memory_space<semaphore_mem>>
      %dma_start3A = arith.constant 0 : i32
      %dma_start3A_11 = arith.constant 0 : i32
      %dma_start3A_12 = tpu.memref_slice %arg4[%add3A, %dma_start3A, %dma_start3A_11] : memref<32x1x10000xi32, #tpu.memory_space<hbm>> -> memref<1x1x10000xi32, #tpu.memory_space<hbm>>
      %dma_start3A_13 = tpu.memref_squeeze %dma_start3A_12 : memref<1x1x10000xi32, #tpu.memory_space<hbm>> -> memref<1x10000xi32, #tpu.memory_space<hbm>>
      %dma_start3A_14 = arith.constant 0 : i32
      %dma_start3A_15 = arith.constant 0 : i32
      %dma_start3A_16 = tpu.memref_slice %arg4[%add3A, %dma_start3A_14, %dma_start3A_15] : memref<32x1x10000xi32, #tpu.memory_space<hbm>> -> memref<1x1x10000xi32, #tpu.memory_space<hbm>>
      %dma_start3A_17 = tpu.memref_squeeze %dma_start3A_16 : memref<1x1x10000xi32, #tpu.memory_space<hbm>> -> memref<1x10000xi32, #tpu.memory_space<hbm>>
      tpu.enqueue_dma source(%dma_start3A_17 : memref<1x10000xi32, #tpu.memory_space<hbm>>) target(%arg8 : memref<1x10000xi32, #tpu.memory_space<vmem>>) target_semaphore(%run_scoped3A : memref<!tpu.dma_semaphore, #tpu.memory_space<semaphore_mem>>)
      %dma_wait3A = arith.constant 0 : i32
      %dma_wait3A_18 = arith.constant 0 : i32
      %dma_wait3A_19 = tpu.memref_slice %arg4[%add3A, %dma_wait3A, %dma_wait3A_18] : memref<32x1x10000xi32, #tpu.memory_space<hbm>> -> memref<1x1x10000xi32, #tpu.memory_space<hbm>>
      %dma_wait3A_20 = tpu.memref_squeeze %dma_wait3A_19 : memref<1x1x10000xi32, #tpu.memory_space<hbm>> -> memref<1x10000xi32, #tpu.memory_space<hbm>>
      %dma_wait3A_21 = arith.constant 0 : i32
      %dma_wait3A_22 = arith.constant 0 : i32
      %dma_wait3A_23 = tpu.memref_slice %arg4[%add3A, %dma_wait3A_21, %dma_wait3A_22] : memref<32x1x10000xi32, #tpu.memory_space<hbm>> -> memref<1x1x10000xi32, #tpu.memory_space<hbm>>
      %dma_wait3A_24 = tpu.memref_squeeze %dma_wait3A_23 : memref<1x1x10000xi32, #tpu.memory_space<hbm>> -> memref<1x10000xi32, #tpu.memory_space<hbm>>
      tpu.wait_dma2 semaphore(%run_scoped3A : memref<!tpu.dma_semaphore, #tpu.memory_space<semaphore_mem>>) src(%dma_wait3A_24 : memref<1x10000xi32, #tpu.memory_space<hbm>>) dst(%arg8 : memref<1x10000xi32, #tpu.memory_space<vmem>>)
      tpu.yield
    }) : () -> ()
    %broadcast_in_dim3A = arith.constant 0.000000e+00 : f32
    %broadcast_in_dim3A_1 = vector.broadcast %broadcast_in_dim3A : f32 to vector<16xf32>
    %scan3A = arith.constant 0 : i32
    %scan3A_2 = arith.constant 625 : i32
    %scan3A_3 = arith.addi %scan3A, %scan3A_2 : i32
    %scan3A_4 = arith.constant 1 : i32
    scf.for %scan3A_11 = %scan3A to %scan3A_3 step %scan3A_4  : i32 {
      %mul3A_12 = arith.constant 16 : i32
      %mul3A_13 = arith.muli %scan3A_11, %mul3A_12 : i32
      %add3A_14 = arith.constant 0 : i32
      %add3A_15 = arith.addi %add3A_14, %mul3A_13 : i32
      %swap3A = arith.constant 0 : i32
      %swap3A_16 = arith.index_cast %swap3A : i32 to index
      %swap3A_17 = arith.index_cast %add3A_15 : i32 to index
      %swap3A_18 = tpu.vector_load %arg9[%swap3A_16, %swap3A_17] {strides = array<i32>} : memref<1x10000xf32, #tpu.memory_space<vmem>>, vector<16xf32>,
      tpu.vector_store %arg9[%swap3A_16, %swap3A_17], %broadcast_in_dim3A_1 {strides = array<i32>} : memref<1x10000xf32, #tpu.memory_space<vmem>>, vector<16xf32>,
    }
    %scan3A_5 = arith.constant 625 : i32
    %scan3A_6 = arith.constant 0 : i32
    %scan3A_7 = arith.constant 625 : i32
    %scan3A_8 = arith.addi %scan3A_6, %scan3A_7 : i32
    %scan3A_9 = arith.constant 1 : i32
    scf.for %scan3A_11 = %scan3A_6 to %scan3A_8 step %scan3A_9  : i32 {
      %mul3A_12 = arith.constant 16 : i32
      %mul3A_13 = arith.muli %scan3A_11, %mul3A_12 : i32
      %add3A_14 = arith.constant 0 : i32
      %add3A_15 = arith.addi %add3A_14, %mul3A_13 : i32
      %get3A = arith.constant 0 : i32
      %get3A_16 = arith.index_cast %get3A : i32 to index
      %get3A_17 = arith.index_cast %add3A_15 : i32 to index
      %get3A_18 = tpu.vector_load %arg7[%get3A_16, %get3A_17] {strides = array<i32>} : memref<1x10000xi32, #tpu.memory_space<vmem>>, vector<16xi32>,
      %get3A_19 = arith.constant 0 : i32
      %get3A_20 = arith.index_cast %get3A_19 : i32 to index
      %get3A_21 = arith.index_cast %add3A_15 : i32 to index
      %get3A_22 = tpu.vector_load %arg8[%get3A_20, %get3A_21] {strides = array<i32>} : memref<1x10000xi32, #tpu.memory_space<vmem>>, vector<16xi32>,
      %gather3A = arith.constant 0 : i32
      %gather3A_23 = arith.constant 0 : i32
      %gather3A_24 = tpu.memref_slice %arg6[%gather3A, %gather3A_23] : memref<1x10000xf32, #tpu.memory_space<vmem>> -> memref<1x10000xf32, #tpu.memory_space<vmem>>
      %gather3A_25 = tpu.memref_squeeze %gather3A_24 : memref<1x10000xf32, #tpu.memory_space<vmem>> -> memref<10000xf32, #tpu.memory_space<vmem>>
      %gather3A_26 = tpu.vector_load_idx %gather3A_25[%get3A_18] : memref<10000xf32, #tpu.memory_space<vmem>>[vector<16xi32>], vector<16xf32>,
      %scatter3A = arith.constant 0 : i32
      %scatter3A_27 = arith.constant 0 : i32
      %scatter3A_28 = tpu.memref_slice %arg9[%scatter3A, %scatter3A_27] : memref<1x10000xf32, #tpu.memory_space<vmem>> -> memref<1x10000xf32, #tpu.memory_space<vmem>>
      %scatter3A_29 = tpu.memref_squeeze %scatter3A_28 : memref<1x10000xf32, #tpu.memory_space<vmem>> -> memref<10000xf32, #tpu.memory_space<vmem>>
      tpu.vector_store_idx %scatter3A_29[%get3A_22], %gather3A_26 {add = true} : memref<10000xf32, #tpu.memory_space<vmem>>[vector<16xi32>], vector<16xf32>,
    }
    %scan3A_10 = arith.constant 625 : i32
    "tpu.region"() ({
      %run_scoped3A = tpu.sem_alloc : memref<!tpu.dma_semaphore, #tpu.memory_space<semaphore_mem>>
      %dma_start3A = arith.constant 0 : i32
      %dma_start3A_11 = arith.constant 0 : i32
      %dma_start3A_12 = tpu.memref_slice %arg5[%add3A, %dma_start3A, %dma_start3A_11] : memref<32x1x10000xf32, #tpu.memory_space<hbm>> -> memref<1x1x10000xf32, #tpu.memory_space<hbm>>
      %dma_start3A_13 = tpu.memref_squeeze %dma_start3A_12 : memref<1x1x10000xf32, #tpu.memory_space<hbm>> -> memref<1x10000xf32, #tpu.memory_space<hbm>>
      %dma_start3A_14 = arith.constant 0 : i32
      %dma_start3A_15 = arith.constant 0 : i32
      %dma_start3A_16 = tpu.memref_slice %arg5[%add3A, %dma_start3A_14, %dma_start3A_15] : memref<32x1x10000xf32, #tpu.memory_space<hbm>> -> memref<1x1x10000xf32, #tpu.memory_space<hbm>>
      %dma_start3A_17 = tpu.memref_squeeze %dma_start3A_16 : memref<1x1x10000xf32, #tpu.memory_space<hbm>> -> memref<1x10000xf32, #tpu.memory_space<hbm>>
      tpu.enqueue_dma source(%arg9 : memref<1x10000xf32, #tpu.memory_space<vmem>>) target(%dma_start3A_17 : memref<1x10000xf32, #tpu.memory_space<hbm>>) target_semaphore(%run_scoped3A : memref<!tpu.dma_semaphore, #tpu.memory_space<semaphore_mem>>)
      %dma_wait3A = arith.constant 0 : i32
      %dma_wait3A_18 = arith.constant 0 : i32
      %dma_wait3A_19 = tpu.memref_slice %arg5[%add3A, %dma_wait3A, %dma_wait3A_18] : memref<32x1x10000xf32, #tpu.memory_space<hbm>> -> memref<1x1x10000xf32, #tpu.memory_space<hbm>>
      %dma_wait3A_20 = tpu.memref_squeeze %dma_wait3A_19 : memref<1x1x10000xf32, #tpu.memory_space<hbm>> -> memref<1x10000xf32, #tpu.memory_space<hbm>>
      %dma_wait3A_21 = arith.constant 0 : i32
      %dma_wait3A_22 = arith.constant 0 : i32
      %dma_wait3A_23 = tpu.memref_slice %arg5[%add3A, %dma_wait3A_21, %dma_wait3A_22] : memref<32x1x10000xf32, #tpu.memory_space<hbm>> -> memref<1x1x10000xf32, #tpu.memory_space<hbm>>
      %dma_wait3A_24 = tpu.memref_squeeze %dma_wait3A_23 : memref<1x1x10000xf32, #tpu.memory_space<hbm>> -> memref<1x10000xf32, #tpu.memory_space<hbm>>
      tpu.wait_dma2 semaphore(%run_scoped3A : memref<!tpu.dma_semaphore, #tpu.memory_space<semaphore_mem>>) src(%arg9 : memref<1x10000xf32, #tpu.memory_space<vmem>>) dst(%dma_wait3A_24 : memref<1x10000xf32, #tpu.memory_space<hbm>>)
      tpu.yield
    }) : () -> ()
    return
  }
}

module attributes {stable_mosaic.version = 14 : i64} {
  func.func @body(%arg0: memref<32x10000xf32, #tpu.memory_space<vmem>>, %arg1: memref<10000x128xf32, #tpu.memory_space<vmem>>, %arg2: memref<128x128xf32, #tpu.memory_space<vmem>>, %arg3: memref<10000x128xf32, #tpu.memory_space<vmem>>) attributes {dimension_semantics = [], scalar_prefetch = 0 : i64, scratch_operands = 0 : i64, tpu.core_type = #tpu.core_type<tc>} {
    %get3A = arith.constant 0 : index
    %get3A_0 = arith.constant 0 : index
    %get3A_1 = vector.load %arg0[%get3A, %get3A_0] : memref<32x10000xf32, #tpu.memory_space<vmem>>, vector<32x10000xf32>
    %reduce_sum3A = arith.constant dense<0.000000e+00> : vector<10000xf32>
    %reduce_sum3A_2 = vector.multi_reduction <add>, %get3A_1, %reduce_sum3A [0] : vector<32x10000xf32> to vector<10000xf32>
    %jit3A = arith.constant 1.000000e+00 : f32
    %max3A = vector.broadcast %jit3A : f32 to vector<10000xf32>
    %max3A_3 = arith.maximumf %max3A, %reduce_sum3A_2 : vector<10000xf32>
    %rsqrt3A = math.rsqrt %max3A_3 : vector<10000xf32>
    %broadcast_in_dim3A = vector.shape_cast %rsqrt3A : vector<10000xf32> to vector<10000x1xf32>
    %get3A_4 = arith.constant 0 : index
    %get3A_5 = arith.constant 0 : index
    %get3A_6 = vector.load %arg1[%get3A_4, %get3A_5] : memref<10000x128xf32, #tpu.memory_space<vmem>>, vector<10000x128xf32>
    %get3A_7 = arith.constant 0 : index
    %get3A_8 = arith.constant 0 : index
    %get3A_9 = vector.load %arg2[%get3A_7, %get3A_8] : memref<128x128xf32, #tpu.memory_space<vmem>>, vector<128x128xf32>
    %dot_general3A = arith.constant dense<0.000000e+00> : vector<10000x128xf32>
    %dot_general3A_10 = tpu.matmul %get3A_6, %get3A_9, %dot_general3A {dimension_numbers = #tpu.dot_dimension_numbers<[1], [0], [0], [1], [0, 0, 1, 1], [], []>, transpose_lhs_hint = false} : vector<10000x128xf32>, vector<128x128xf32>, vector<10000x128xf32> -> vector<10000x128xf32>
    %mul3A = vector.broadcast %broadcast_in_dim3A : vector<10000x1xf32> to vector<10000x128xf32>
    %mul3A_11 = arith.mulf %dot_general3A_10, %mul3A : vector<10000x128xf32>
    %swap3A = arith.constant 0 : index
    %swap3A_12 = arith.constant 0 : index
    %swap3A_13 = vector.load %arg3[%swap3A, %swap3A_12] : memref<10000x128xf32, #tpu.memory_space<vmem>>, vector<10000x128xf32>
    tpu.vector_store %arg3[%swap3A, %swap3A_12], %mul3A_11 {strides = array<i32>} : memref<10000x128xf32, #tpu.memory_space<vmem>>, vector<10000x128xf32>,
    return
  }
}

module attributes {stable_mosaic.version = 14 : i64} {
  func.func @body(%arg0: memref<32x10000xf32, #tpu.memory_space<vmem>>, %arg1: memref<32x10000xf32, #tpu.memory_space<vmem>>, %arg2: memref<10000x1xf32, #tpu.memory_space<vmem>>, %arg3: memref<10000x1xf32, #tpu.memory_space<vmem>>, %arg4: memref<1x10000xf32, #tpu.memory_space<vmem>>) attributes {dimension_semantics = [], scalar_prefetch = 0 : i64, scratch_operands = 0 : i64, tpu.core_type = #tpu.core_type<tc>} {
    %get3A = arith.constant 0 : index
    %get3A_0 = arith.constant 0 : index
    %get3A_1 = vector.load %arg1[%get3A, %get3A_0] : memref<32x10000xf32, #tpu.memory_space<vmem>>, vector<32x10000xf32>
    %reduce_sum3A = arith.constant dense<0.000000e+00> : vector<10000xf32>
    %reduce_sum3A_2 = vector.multi_reduction <add>, %get3A_1, %reduce_sum3A [0] : vector<32x10000xf32> to vector<10000xf32>
    %jit3A = arith.constant 1.000000e+00 : f32
    %max3A = vector.broadcast %jit3A : f32 to vector<10000xf32>
    %max3A_3 = arith.maximumf %max3A, %reduce_sum3A_2 : vector<10000xf32>
    %rsqrt3A = math.rsqrt %max3A_3 : vector<10000xf32>
    %broadcast_in_dim3A = vector.shape_cast %rsqrt3A : vector<10000xf32> to vector<1x10000xf32>
    %swap3A = arith.constant 0 : index
    %swap3A_4 = arith.constant 0 : index
    %swap3A_5 = vector.load %arg4[%swap3A, %swap3A_4] : memref<1x10000xf32, #tpu.memory_space<vmem>>, vector<1x10000xf32>
    tpu.vector_store %arg4[%swap3A, %swap3A_4], %broadcast_in_dim3A {strides = array<i32>} : memref<1x10000xf32, #tpu.memory_space<vmem>>, vector<1x10000xf32>,
    %broadcast_in_dim3A_6 = vector.shape_cast %rsqrt3A : vector<10000xf32> to vector<10000x1xf32>
    %swap3A_7 = arith.constant 0 : index
    %swap3A_8 = arith.constant 0 : index
    %swap3A_9 = vector.load %arg3[%swap3A_7, %swap3A_8] : memref<10000x1xf32, #tpu.memory_space<vmem>>, vector<10000x1xf32>
    tpu.vector_store %arg3[%swap3A_7, %swap3A_8], %broadcast_in_dim3A_6 {strides = array<i32>} : memref<10000x1xf32, #tpu.memory_space<vmem>>, vector<10000x1xf32>,
    %get3A_10 = arith.constant 0 : index
    %get3A_11 = arith.constant 0 : index
    %get3A_12 = vector.load %arg0[%get3A_10, %get3A_11] : memref<32x10000xf32, #tpu.memory_space<vmem>>, vector<32x10000xf32>
    %reduce_sum3A_13 = arith.constant dense<0.000000e+00> : vector<10000xf32>
    %reduce_sum3A_14 = vector.multi_reduction <add>, %get3A_12, %reduce_sum3A_13 [0] : vector<32x10000xf32> to vector<10000xf32>
    %jit3A_15 = arith.constant 1.000000e+00 : f32
    %max3A_16 = vector.broadcast %jit3A_15 : f32 to vector<10000xf32>
    %max3A_17 = arith.maximumf %max3A_16, %reduce_sum3A_14 : vector<10000xf32>
    %rsqrt3A_18 = math.rsqrt %max3A_17 : vector<10000xf32>
    %broadcast_in_dim3A_19 = vector.shape_cast %rsqrt3A_18 : vector<10000xf32> to vector<10000x1xf32>
    %swap3A_20 = arith.constant 0 : index
    %swap3A_21 = arith.constant 0 : index
    %swap3A_22 = vector.load %arg2[%swap3A_20, %swap3A_21] : memref<10000x1xf32, #tpu.memory_space<vmem>>, vector<10000x1xf32>
    tpu.vector_store %arg2[%swap3A_20, %swap3A_21], %broadcast_in_dim3A_19 {strides = array<i32>} : memref<10000x1xf32, #tpu.memory_space<vmem>>, vector<10000x1xf32>,
    return
  }
}

module attributes {stable_mosaic.version = 14 : i64} {
  func.func @body(%arg0: i32, %arg1: memref<1x1000x128xf32, #tpu.memory_space<vmem>>, %arg2: memref<1000x1xf32, #tpu.memory_space<vmem>>, %arg3: memref<1000x1xf32, #tpu.memory_space<vmem>>, %arg4: memref<1x128xf32, #tpu.memory_space<vmem>>, %arg5: memref<1x128xf32, #tpu.memory_space<vmem>>, %arg6: memref<1000x1xf32, #tpu.memory_space<vmem>>) attributes {dimension_semantics = [#tpu.dimension_semantics<arbitrary>], iteration_bounds = array<i64: 10>, scalar_prefetch = 0 : i64, scratch_operands = 0 : i64, tpu.core_type = #tpu.core_type<tc>, window_params = [{transform_indices = @transform_0, window_bounds = array<i64: 1, 1000, 128>}, {transform_indices = @transform_1, window_bounds = array<i64: 1000, 1>}, {transform_indices = @transform_2, window_bounds = array<i64: 1000, 1>}, {pipeline_mode = #tpu.pipeline_mode<synchronous>, transform_indices = @transform_3, window_bounds = array<i64: 1, 128>}, {pipeline_mode = #tpu.pipeline_mode<synchronous>, transform_indices = @transform_4, window_bounds = array<i64: 1, 128>}, {transform_indices = @transform_5, window_bounds = array<i64: 1000, 1>}]} {
    %get3A = arith.constant 0 : index
    %get3A_0 = arith.constant 0 : index
    %get3A_1 = arith.constant 0 : index
    %get3A_2 = vector.load %arg1[%get3A, %get3A_0, %get3A_1] : memref<1x1000x128xf32, #tpu.memory_space<vmem>>, vector<1x1000x128xf32>
    %get3A_3 = vector.shape_cast %get3A_2 : vector<1x1000x128xf32> to vector<1000x128xf32>
    %get3A_4 = arith.constant 0 : index
    %get3A_5 = arith.constant 0 : index
    %get3A_6 = vector.load %arg2[%get3A_4, %get3A_5] : memref<1000x1xf32, #tpu.memory_space<vmem>>, vector<1000x1xf32>
    %mul3A = vector.broadcast %get3A_6 : vector<1000x1xf32> to vector<1000x128xf32>
    %mul3A_7 = arith.mulf %get3A_3, %mul3A : vector<1000x128xf32>
    %get3A_8 = arith.constant 0 : index
    %get3A_9 = arith.constant 0 : index
    %get3A_10 = vector.load %arg4[%get3A_8, %get3A_9] : memref<1x128xf32, #tpu.memory_space<vmem>>, vector<1x128xf32>
    %add3A = vector.broadcast %get3A_10 : vector<1x128xf32> to vector<1000x128xf32>
    %add3A_11 = arith.addf %mul3A_7, %add3A : vector<1000x128xf32>
    %max3A = arith.constant 0.000000e+00 : f32
    %max3A_12 = vector.broadcast %max3A : f32 to vector<1000x128xf32>
    %max3A_13 = arith.maximumf %add3A_11, %max3A_12 : vector<1000x128xf32>
    %get3A_14 = arith.constant 0 : index
    %get3A_15 = arith.constant 0 : index
    %get3A_16 = vector.load %arg5[%get3A_14, %get3A_15] : memref<1x128xf32, #tpu.memory_space<vmem>>, vector<1x128xf32>
    %mul3A_17 = vector.broadcast %get3A_16 : vector<1x128xf32> to vector<1000x128xf32>
    %mul3A_18 = arith.mulf %max3A_13, %mul3A_17 : vector<1000x128xf32>
    %reduce_sum3A = arith.constant dense<0.000000e+00> : vector<1000xf32>
    %reduce_sum3A_19 = vector.multi_reduction <add>, %mul3A_18, %reduce_sum3A [1] : vector<1000x128xf32> to vector<1000xf32>
    %broadcast_in_dim3A = vector.shape_cast %reduce_sum3A_19 : vector<1000xf32> to vector<1000x1xf32>
    %get3A_20 = arith.constant 0 : index
    %get3A_21 = arith.constant 0 : index
    %get3A_22 = vector.load %arg3[%get3A_20, %get3A_21] : memref<1000x1xf32, #tpu.memory_space<vmem>>, vector<1000x1xf32>
    %mul3A_23 = arith.mulf %broadcast_in_dim3A, %get3A_22 : vector<1000x1xf32>
    %swap3A = arith.constant 0 : index
    %swap3A_24 = arith.constant 0 : index
    %swap3A_25 = vector.load %arg6[%swap3A, %swap3A_24] : memref<1000x1xf32, #tpu.memory_space<vmem>>, vector<1000x1xf32>
    tpu.vector_store %arg6[%swap3A, %swap3A_24], %mul3A_23 {strides = array<i32>} : memref<1000x1xf32, #tpu.memory_space<vmem>>, vector<1000x1xf32>,
    return
  }
  func.func @transform_0(%arg0: i32) -> (i32, i32, i32) {
    %jit3A = arith.constant 5 : i32
    %div3A = arith.divsi %arg0, %jit3A : i32
    %sign3A = arith.constant 0 : i32
    %sign3A_0 = arith.cmpi sgt, %arg0, %sign3A : i32
    %sign3A_1 = arith.extui %sign3A_0 : i1 to i32
    %sign3A_2 = arith.constant 0 : i32
    %sign3A_3 = arith.cmpi slt, %arg0, %sign3A_2 : i32
    %sign3A_4 = arith.extui %sign3A_3 : i1 to i32
    %sign3A_5 = arith.subi %sign3A_1, %sign3A_4 : i32
    %sign3A_6 = arith.constant 0 : i32
    %sign3A_7 = arith.cmpi sgt, %jit3A, %sign3A_6 : i32
    %sign3A_8 = arith.extui %sign3A_7 : i1 to i32
    %sign3A_9 = arith.constant 0 : i32
    %sign3A_10 = arith.cmpi slt, %jit3A, %sign3A_9 : i32
    %sign3A_11 = arith.extui %sign3A_10 : i1 to i32
    %sign3A_12 = arith.subi %sign3A_8, %sign3A_11 : i32
    %ne3A = arith.cmpi ne, %sign3A_5, %sign3A_12 : i32
    %rem3A = arith.remsi %arg0, %jit3A : i32
    %ne3A_13 = arith.constant 0 : i32
    %ne3A_14 = arith.cmpi ne, %rem3A, %ne3A_13 : i32
    %and3A = arith.andi %ne3A, %ne3A_14 : i1
    %sub3A = arith.constant 1 : i32
    %sub3A_15 = arith.subi %div3A, %sub3A : i32
    %select_n3A = arith.select %and3A, %sub3A_15, %div3A : i32
    %jit3A_16 = arith.constant 5 : i32
    %eq3A = arith.constant 0 : i32
    %eq3A_17 = arith.cmpi eq, %jit3A_16, %eq3A : i32
    %jit3A_18 = arith.constant 1 : i32
    %select_n3A_19 = arith.select %eq3A_17, %jit3A_18, %jit3A_16 : i32
    %rem3A_20 = arith.remsi %arg0, %select_n3A_19 : i32
    %ne3A_21 = arith.constant 0 : i32
    %ne3A_22 = arith.cmpi ne, %rem3A_20, %ne3A_21 : i32
    %lt3A = arith.constant 0 : i32
    %lt3A_23 = arith.cmpi slt, %rem3A_20, %lt3A : i32
    %lt3A_24 = arith.constant 0 : i32
    %lt3A_25 = arith.cmpi slt, %select_n3A_19, %lt3A_24 : i32
    %ne3A_26 = arith.xori %lt3A_23, %lt3A_25 : i1
    %and3A_27 = arith.andi %ne3A_26, %ne3A_22 : i1
    %add3A = arith.addi %rem3A_20, %select_n3A_19 : i32
    %select_n3A_28 = arith.select %and3A_27, %add3A, %rem3A_20 : i32
    %c0_i32 = arith.constant 0 : i32
    %c0_i32_29 = arith.constant 0 : i32
    return %select_n3A, %select_n3A_28, %c0_i32 : i32, i32, i32
  }
  func.func @transform_1(%arg0: i32) -> (i32, i32) {
    %c0_i32 = arith.constant 0 : i32
    %c0_i32_0 = arith.constant 0 : i32
    return %arg0, %c0_i32 : i32, i32
  }
  func.func @transform_2(%arg0: i32) -> (i32, i32) {
    %c0_i32 = arith.constant 0 : i32
    %c0_i32_0 = arith.constant 0 : i32
    return %arg0, %c0_i32 : i32, i32
  }
  func.func @transform_3(%arg0: i32) -> (i32, i32) {
    %c0_i32 = arith.constant 0 : i32
    %c0_i32_0 = arith.constant 0 : i32
    %c0_i32_1 = arith.constant 0 : i32
    return %c0_i32, %c0_i32_0 : i32, i32
  }
  func.func @transform_4(%arg0: i32) -> (i32, i32) {
    %c0_i32 = arith.constant 0 : i32
    %c0_i32_0 = arith.constant 0 : i32
    %c0_i32_1 = arith.constant 0 : i32
    return %c0_i32, %c0_i32_0 : i32, i32
  }
  func.func @transform_5(%arg0: i32) -> (i32, i32) {
    %c0_i32 = arith.constant 0 : i32
    %c0_i32_0 = arith.constant 0 : i32
    return %arg0, %c0_i32 : i32, i32
  }
}

module attributes {stable_mosaic.version = 14 : i64} {
  func.func @body(%arg0: memref<32x10000xf32, #tpu.memory_space<vmem>>, %arg1: memref<1x10000xf32, #tpu.memory_space<vmem>>, %arg2: memref<1x1xf32, #tpu.memory_space<vmem>>, %arg3: memref<1x10000xf32, #tpu.memory_space<vmem>>) attributes {dimension_semantics = [], scalar_prefetch = 0 : i64, scratch_operands = 0 : i64, tpu.core_type = #tpu.core_type<tc>} {
    %get3A = arith.constant 0 : index
    %get3A_0 = arith.constant 0 : index
    %get3A_1 = vector.load %arg0[%get3A, %get3A_0] : memref<32x10000xf32, #tpu.memory_space<vmem>>, vector<32x10000xf32>
    %reduce_sum3A = arith.constant dense<0.000000e+00> : vector<10000xf32>
    %reduce_sum3A_2 = vector.multi_reduction <add>, %get3A_1, %reduce_sum3A [0] : vector<32x10000xf32> to vector<10000xf32>
    %broadcast_in_dim3A = vector.shape_cast %reduce_sum3A_2 : vector<10000xf32> to vector<1x10000xf32>
    %get3A_3 = arith.constant 0 : index
    %get3A_4 = arith.constant 0 : index
    %get3A_5 = vector.load %arg1[%get3A_3, %get3A_4] : memref<1x10000xf32, #tpu.memory_space<vmem>>, vector<1x10000xf32>
    %mul3A = arith.mulf %broadcast_in_dim3A, %get3A_5 : vector<1x10000xf32>
    %get3A_6 = arith.constant 0 : index
    %get3A_7 = arith.constant 0 : index
    %get3A_8 = vector.load %arg2[%get3A_6, %get3A_7] : memref<1x1xf32, #tpu.memory_space<vmem>>, vector<1x1xf32>
    %get3A_9 = vector.extract %get3A_8[0, 0] : f32 from vector<1x1xf32>
    %add3A = vector.broadcast %get3A_9 : f32 to vector<1x10000xf32>
    %add3A_10 = arith.addf %mul3A, %add3A : vector<1x10000xf32>
    %logistic3A = arith.negf %add3A_10 : vector<1x10000xf32>
    %logistic3A_11 = math.exp %logistic3A : vector<1x10000xf32>
    %logistic3A_12 = arith.constant 1.000000e+00 : f32
    %logistic3A_13 = vector.broadcast %logistic3A_12 : f32 to vector<1x10000xf32>
    %logistic3A_14 = arith.addf %logistic3A_13, %logistic3A_11 : vector<1x10000xf32>
    %logistic3A_15 = arith.divf %logistic3A_13, %logistic3A_14 : vector<1x10000xf32>
    %swap3A = arith.constant 0 : index
    %swap3A_16 = arith.constant 0 : index
    %swap3A_17 = vector.load %arg3[%swap3A, %swap3A_16] : memref<1x10000xf32, #tpu.memory_space<vmem>>, vector<1x10000xf32>
    tpu.vector_store %arg3[%swap3A, %swap3A_16], %logistic3A_15 {strides = array<i32>} : memref<1x10000xf32, #tpu.memory_space<vmem>>, vector<1x10000xf32>,
    return
  }
}

</mosaic_0001>

<sc_bundles>
// kernel: kernel.12.cloned.1.call-start
scs
__scs_entry_jumppad:
0x0: {  	(pc) =	sbr.rel $0x88, $3  }
0x1: {  	(tag) =	ssettag $0x0;
	lr =	simm.s32 $0x1  }
0x2: {  	[smem:$0x3F9B] =	sst lr;
	_ =	strace $0xD0000000  }
0x3: {  	_ = 	snop  }
0x4: {  	_ = 	snop  }
0x5: {  	_ = 	snop  }
0x6: {  	_ = 	snop  }
0x7: {  	_ = 	snop  }
__scs_overlays_trampoline_lowered:
0x8: {  	[smem:$0x3FAA] =	sst s0  }
0x9: {  	[smem:$0x3FAB] =	sst s1  }
0xa: {  	[smem:$0x3FAC] =	sst s2  }
0xb: {  	[smem:$0x3FAD] =	sst s3  }
0xc: {  	[smem:$0x3FAE] =	sst s4  }
0xd: {  	[smem:$0x3FAF] =	sst s5  }
0xe: {  	[smem:$0x3FB0] =	sst s6  }
0xf: {  	[smem:$0x3FB1] =	sst s7  }
0x10: {  	[smem:$0x3FB2] =	sst s8  }
0x11: {  	[smem:$0x3FB3] =	sst s9;
	s0 =	simm.s32 @!p0 $0x0  }
0x12: {  	s1 =	sld [smem:$0x3F99];
	s0 =	simm.s32 @p0 $0x1  }
0x13: {  	[smem:$0x3FB4] =	sst s0;
	s0 =	simm.s32 @!p1 $0x0  }
0x14: {  	s2 =	sld [smem:$0x3F98];
	s0 =	simm.s32 @p1 $0x1  }
0x15: {  	[smem:$0x3FB5] =	sst s0;
	s0 =	simm.s32 @!p2 $0x0  }
0x16: {  	s3 =	sld [smem:$0x3FDB];
	s0 =	simm.s32 @p2 $0x1  }
0x17: {  	s4 =	simm.s32 $0x1BF5;
	[smem:$0x3FB7] =	sst s0  }
0x18: {  	s0 =	sld [smem:$0x3F9A];
	_ =	swait.ge [sflag:s4], $0x0  }
0x19: {  	s7 =	sld [smem:$0x3F9B]  }
0x1a: {  	s8 =	sadd.s32 $0xFFFFE003, lr  }
0x1b: {  	s9 =	sadd.s32 $0xFFFFFEF7, lr;
	s5 =	simm.s32 $0xFFFFFFFF;
	p2 =	slt.u32 s8, $0xFFFFF086  }
0x1c: {  	p1 =	slt.u32 s9, $0xF7A;
	s5 =	simm.s32 @!p2 $0x0  }
0x1d: {  	s5 =	simm.s32 @p1 $0x1;
	p0 =	seq.s32 s7, s2  }
0x1e: {  	s7 =	smul.u32 @!p0 $0xF7A, s2;
	p2 =	seq.s32 @!p0 s5, $0x0  }
0x1f: {  	s9 =	smul.u32 $0xF7A, s1;
	s8 =	simm.s32 @!p0 $0x1BF5;
	p2 =	por !p2, p0  }
0x20: {  	[sflag:s8] =	ssyncset.s32 @!p0 $0xFFFFF086;
	s6 =	sadd.s32 @!p0 s3, s7;
	s7 =	simm.s32 @!p0 $0x108  }
0x21: {  	s3 =	sadd.s32 s3, s9;
	s6 =	sadd.s32 @!p0 $0x88, s6;
	s7 =	simm.s32 @p2 $0x1082  }
0x22: {  	[simem:s7], [sflag:s8] =	dma.local @!p0 [hbm:s6], $0xF7A  }
0x23: {  	s9 =	sor.u32 $0xD0000000, s2;
	s6 =	simm.s32 $0x108;
	_ =	swait.ge @!p0 [sflag:s8], $0x0  }
0x24: {  	s3 =	sadd.s32 $0x88, s3;
	s6 =	simm.s32 @!p1 $0x1082;
	[sflag:s4] =	ssyncset.s32 $0xFFFFF086  }
0x25: {  	[simem:s6], [sflag:s4] =	dma.local [hbm:s3], $0xF7A  }
0x26: {  	[smem:$0x3F9B] =	sst s1;
	(tag) =	ssettag s2;
	_ =	strace s9  }
0x27: {  	s1 =	sld [smem:$0x3FAB]  }
0x28: {  	s2 =	sld [smem:$0x3FAC]  }
0x29: {  	s4 =	sld [smem:$0x3FAE]  }
0x2a: {  	p0 =	seq.s32 s5, $0x0;
	s5 =	sld [smem:$0x3FAF]  }
0x2b: {  	s6 =	sld [smem:$0x3FB0]  }
0x2c: {  	s7 =	sld [smem:$0x3FB1]  }
0x2d: {  	s3 =	simm.s32 $0x108;
	s8 =	sld [smem:$0x3FB2]  }
0x2e: {  	s3 =	simm.s32 @!p0 $0x1082;
	s9 =	sld [smem:$0x3FB3]  }
0x2f: {  	lr =	sadd.s32 s0, s3;
	s0 =	sld [smem:$0x3FAA]  }
0x30: {  	s3 =	sld [smem:$0x3FAD]  }
0x31: {  	[smem:$0x3FB6] =	sst s10  }
0x32: {  	s10 =	sld [smem:$0x3FB4];
	_ =	sdelay $0x3  }
0x33: {  	p0 =	seq.s32 s10, $0x1;
	s10 =	sld [smem:$0x3FB6];
	_ =	sdelay $0x3  }
0x34: {  	[smem:$0x3FB6] =	sst s10  }
0x35: {  	s10 =	sld [smem:$0x3FB5];
	_ =	sdelay $0x3  }
0x36: {  	p1 =	seq.s32 s10, $0x1;
	s10 =	sld [smem:$0x3FB6];
	_ =	sdelay $0x3  }
0x37: {  	[smem:$0x3FB6] =	sst s10  }
0x38: {  	s10 =	sld [smem:$0x3FB7]  }
0x39: {  	_ = 	snop;
	(pc) =	sbr.ind lr, $3  }
0x3a: {  	_ = 	snop  }
0x3b: {  	_ = 	snop  }
0x3c: {  	p2 =	seq.s32 s10, $0x1;
	s10 =	sld [smem:$0x3FB6]  }
0x3d: {  	_ =	shalt  }
0x3e: {  	_ =	shalt  }
0x3f: {  	_ =	shalt  }
0x40: {  	_ =	shalt  }
0x41: {  	_ =	shalt  }
0x42: {  	_ =	shalt  }
0x43: {  	_ =	shalt  }
0x44: {  	_ =	shalt  }
0x45: {  	_ =	shalt  }
0x46: {  	_ =	shalt  }
0x47: {  	_ =	shalt  }
0x48: {  	_ =	shalt  }
0x49: {  	_ =	shalt  }
0x4a: {  	_ =	shalt  }
0x4b: {  	_ =	shalt  }
0x4c: {  	_ =	shalt  }
0x4d: {  	_ =	shalt  }
0x4e: {  	_ =	shalt  }
0x4f: {  	_ =	shalt  }
0x50: {  	_ =	shalt  }
0x51: {  	_ =	shalt  }
0x52: {  	_ =	shalt  }
0x53: {  	_ =	shalt  }
0x54: {  	_ =	shalt  }
0x55: {  	_ =	shalt  }
0x56: {  	_ =	shalt  }
0x57: {  	_ =	shalt  }
0x58: {  	_ =	shalt  }
0x59: {  	_ =	shalt  }
0x5a: {  	_ =	shalt  }
0x5b: {  	_ =	shalt  }
0x5c: {  	_ =	shalt  }
0x5d: {  	_ =	shalt  }
0x5e: {  	_ =	shalt  }
0x5f: {  	_ =	shalt  }
0x60: {  	_ =	shalt  }
0x61: {  	_ =	shalt  }
0x62: {  	_ =	shalt  }
0x63: {  	_ =	shalt  }
0x64: {  	_ =	shalt  }
0x65: {  	_ =	shalt  }
0x66: {  	_ =	shalt  }
0x67: {  	_ =	shalt  }
0x68: {  	_ =	shalt  }
0x69: {  	_ =	shalt  }
0x6a: {  	_ =	shalt  }
0x6b: {  	_ =	shalt  }
0x6c: {  	_ =	shalt  }
0x6d: {  	_ =	shalt  }
0x6e: {  	_ =	shalt  }
0x6f: {  	_ =	shalt  }
0x70: {  	_ =	shalt  }
0x71: {  	_ =	shalt  }
0x72: {  	_ =	shalt  }
0x73: {  	_ =	shalt  }
0x74: {  	_ =	shalt  }
0x75: {  	_ =	shalt  }
0x76: {  	_ =	shalt  }
0x77: {  	_ =	shalt  }
0x78: {  	_ =	shalt  }
0x79: {  	_ =	shalt  }
0x7a: {  	_ =	shalt  }
0x7b: {  	_ =	shalt  }
0x7c: {  	_ =	shalt  }
0x7d: {  	_ =	shalt  }
0x7e: {  	_ =	shalt  }
0x7f: {  	_ =	shalt  }
0x80: {  	_ =	shalt  }
0x81: {  	_ =	shalt  }
0x82: {  	_ =	shalt  }
0x83: {  	_ =	shalt  }
0x84: {  	_ =	shalt  }
0x85: {  	_ =	shalt  }
0x86: {  	_ =	shalt  }
0x87: {  	_ =	shalt  }
.Lfunc_end0:
.L_simem_size_0:
called_computation.1_lowered:
.L_overlay_start_0:
0x88: {  	s2 =	sld [smem:$0x3FD9]  }
0x89: {  	s3 =	sld [smem:$0x3FFE];
	_ =	sdelay $0x1  }
0x8a: {  	s1 =	srdreg.scid  }
0x8b: {  	s0 =	sand.u32 $0x1, s1  }
0x8c: {  	s16 =	sshll.u32 s0, $0xA;
	s2 =	sadd.s32 s3, s2  }
0x8d: {  	s2 =	sadd.s32 s2, s16  }
0x8e: {  	[smem:$0x3FC2] =	sst s2  }
0x8f: {  	_ = 	snop  }
0x90: {  	(tm) =	ssettm $0x1  }
0x91: {  	s17 =	sld [smem:$0x3FFB];
	_ =	sdelay $0x3  }
0x92: {  	_ =	strace s17  }
0x93: {  	s2 =	sld [smem:$0x3FFC];
	_ =	sdelay $0x3  }
0x94: {  	_ =	strace s2  }
0x95: {  	s2 =	sld [smem:$0x3FFD];
	_ =	sdelay $0x3  }
0x96: {  	_ =	strace s2  }
0x97: {  	_ =	strace $0x8FFFFFFF  }
0x98: {  	s18 =	sld [smem:$0x3FDB];
	_ =	sdelay $0x1  }
0x99: {  	s19 =	simm.s32 $_scs_section_size  }
0x9a: {  	s4 =	simm.s32 $_size__tile_overlayer_lowered;
	s5 =	simm.s32 $_tile_overlayer_lowered  }
0x9b: {  	s22 =	simm.s32 $0x1BFF;
	s21 =	sshll.u32 s5, $0x1;
	s2 =	sadd.s32 s19, s18  }
0x9c: {  	s6 =	simm.s32 $0x0;
	s20 =	sshll.u32 s4, $0x1;
	s4 =	sadd.s32 s21, s2  }
0x9d: {  	[timem:s6], [sflag:s22] =	dma.local [hbm:s4], s20  }
0x9e: {  	_ =	swait.ge [sflag:s22], s20  }
0x9f: {  	s3 =	ssub.s32 $0x0, s20;
	[sflag:s22] =	ssyncset.done $0x0  }
0xa0: {  	[sflag:s22] =	ssyncadd.s32 s3;
	_ =	sdelay $0x1  }
0xa1: {  	s23 =	simm.s32 $0x1B8B  }
0xa2: {  	_ =	swait.ge [sflag:s23], $0x1  }
0xa3: {  	[sflag:s23] =	ssyncset.done $0x0  }
0xa4: {  	s25 =	simm.s32 $0x1B8E;
	s24 =	sld [smem:$0x3FFE];
	[sflag:s23] =	ssyncadd.s32 $0xFFFFFFFF  }
0xa5: {  	s26 =	simm.s32 $execute0_lowered;
	[smem:$0x3FD2] =	sst s25  }
0xa6: {  	s4 =	sshll.u32 s26, $0x1;
	_ =	strace $0x80000049;
	[dreg:$0x1] =	wrdreg $0xFFFFFFFF  }
0xa7: {  	s28 =	simm.s32 $_size_execute0_lowered;
	s2 =	sadd.s32 s2, s4;
	[dreg:$0x0] =	wrdreg $0x0  }
0xa8: {  	s4 =	sshll.u32 s28, $0x1;
	[dreg:$0x2] =	wrdreg s2  }
0xa9: {  	[dreg:$0x3] =	wrdreg s4  }
0xaa: {  	[dreg:$0x4] =	wrdreg $0xC0  }
0xab: {  	_ =	task [dreg:s6], $0x5FFFF  }
0xac: {  	[dreg:$0x1] =	wrdreg $0xFFFFFFFF  }
0xad: {  	[dreg:$0x0] =	wrdreg $0x60  }
0xae: {  	[dreg:$0x2] =	wrdreg s24  }
0xaf: {  	[dreg:$0x3] =	wrdreg $0x135000  }
0xb0: {  	[dreg:$0x4] =	wrdreg $0x9  }
0xb1: {  	_ =	task.clear_ibuf [dreg:s6], $0x5FFFF;
	_ =	strace $0x90000049  }
0xb2: {  	s29 =	simm.s32 $0x9;
	_ =	strace $0x8000004B  }
0xb3: {  	_ =	swait.ge [sflag:s29], $0x1  }
0xb4: {  	[sflag:s29] =	ssyncadd.s32 $0xFFFFFFFF  }
0xb5: {  	_ =	strace $0x9000004B  }
0xb6: {  	_ =	sfence  }
0xb7: {  	s30 =	sld [smem:$0x0];
	_ =	sdelay $0x2  }
0xb8: {  	s31 =	sshll.u32 s1, $0xD;
	s1 =	sshrl.u32 s1, $0x2  }
0xb9: {  	s3 =	sand.u32 $0x4000, s31;
	s1 =	sadd.s32 s1, s30  }
0xba: {  	s0 =	sor.u32 s3, s0;
	s1 =	sshll.u32 s1, $0x11  }
0xbb: {  	s0 =	sor.u32 s1, s0  }
0xbc: {  	s0 =	sadd.s32 $0x8F2B, s0  }
0xbd: {  	[sflag:s0] =	ssyncadd.remote.s32 $0x1  }
0xbe: {  	_ =	sfence.sel $0xFFFF  }
0xbf: {  	[dreg:$0x0] =	wrdreg $0xFFFFFFFF;
	(pc) =	sbr.abs _section_cstart, $3  }
0xc0: {  	[dreg:$0x1] =	wrdreg $0xFFFFFFFF  }
0xc1: {  	_ =	task.clear_ibuf [dreg:s6], $0x2FFFF;
	_ =	strace $0x9FFFFFFF  }
0xc2: {  	(tm) =	ssettm $0x7FFFFFFF  }
0xc3: {  	_ =	shalt  }
tec
execute0_lowered:
.L_overlay_start_1:
0x0: {  	(tag) =	ssettag $0x1  }
0x1: {  	s0 =	rddreg [dreg:$0x0]  }
0x2: {  	s2 =	rddreg [dreg:$0x1];
	s3 =	simm.s32 $0x0  }
0x3: {  	s13 =	stileid.u32;
	s1 =	srdreg.scid;
	s14 =	simm.s32 $0x300  }
0x4: {  	s15 =	simm.s32 $0xC8;
	s16 =	simm.s32 $0x900;
	s17 =	simm.s32 $0x100  }
0x5: {  	s18 =	simm.s32 $0x400;
	s19 =	simm.s32 $0x6D00;
	s20 =	simm.s32 $0x200  }
0x6: {  	s28 =	simm.s32 $0x6;
	s29 =	simm.s32 $0x5;
	s30 =	simm.s32 $0x2  }
0x7: {  	s31 =	simm.s32 $0x700;
	[smem:$0x7FF] =	sst s3;
	s5 =	smul.u32 $0x1400, s13  }
0x8: {  	s1 =	sand.u32 $0x1, s1;
	s4 =	sadd.s32 $0x42000, s0;
	s9 =	sadd.s32 $0x29000, s0  }
0x9: {  	s7 =	smul.u32 $0x28000, s13;
	s10 =	sadd.s32 $0x35800, s0;
	s23 =	sshll.u32 s13, $0x6  }
0xa: {  	s24 =	sshll.u32 s13, $0x5;
	_ =	strace $0x8000004A;
	s6 =	smul.u32 $0x14000, s1  }
0xb: {  	s11 =	ssub.s32 $0x2, s1;
	s1 =	smul.u32 $0x1388, s1;
	s13 =	sor.u32 $0x200, s24  }
0xc: {  	s8 =	sadd.s32 s5, s0;
	s21 =	sshrl.u32 s11, $0x1;
	s7 =	sshrl.u32 s7, $0x2  }
0xd: {  	s25 =	sadd.s32 s10, s13;
	s0 =	sadd.s32 s6, s0;
	s11 =	ssub.s32 s11, s21  }
0xe: {  	s12 =	sadd.s32 s7, s2;
	s22 =	sadd.s32 $0x69200, s8;
	s6 =	sor.u32 $0x1C07, s23  }
0xf: {  	s7 =	sadd.s32 s9, s24;
	s8 =	sadd.s32 s10, s24;
	s9 =	sadd.s32 s9, s13  }
0x10: {  	[dreg:$0x5] =	wrdreg s25;
	s13 =	simm.s32 $0x7;
	s21 =	simm.s32 $0x500  }
0x11: {  	s24 =	simm.s32 $0x1;
	s25 =	simm.s32 $0x600;
	[dreg:$0x3] =	wrdreg s22  }
.Ltmp0:
0x12: {  	v0 =	vmov s1;
	s1 =	simm.s32 $0x800;
	[dreg:$0x4] =	wrdreg s9;
	(pc) =	sbr.rel .LBB2_1-.Ltmp0, $4  }
0x13: {  	s9 =	smov.u32 s6;
	s0 =	sadd.s32 $0x7D200, s0;
	s26 =	smax.u32 s11, $0x1  }
0x14: {  	s10 =	sshrl.u32 s12, $0x3;
	s22 =	simm.s32 $0xD100;
	[dreg:$0x6] =	wrdreg s26  }
0x15: {  	s0 =	sadd.s32 s5, s0;
	s26 =	simm.s32 $0x4;
	[dreg:$0x7] =	wrdreg s9  }
0x16: {  	s5 =	simm.s32 $0x0;
	[dreg:$0x8] =	wrdreg s0;
	s0 =	simm.s32 $0x3  }
.LBB2_10:
0x17: {  	_ =	swait.ge [sflag:s26], $0x6400  }
0x18: {  	[sflag:s26] =	ssyncset.done $0x0  }
0x19: {  	[sflag:s26] =	ssyncadd.s32 $0xFFFF9C00  }
0x1a: {  	_ =	swait.ge [sflag:s28], $0x6400  }
0x1b: {  	[sflag:s28] =	ssyncset.done $0x0  }
0x1c: {  	[sflag:s28] =	ssyncadd.s32 $0xFFFF9C00  }
0x1d: {  	_ =	swait.ge [sflag:s29], $0x6400  }
0x1e: {  	[sflag:s29] =	ssyncset.done $0x0  }
0x1f: {  	[sflag:s29] =	ssyncadd.s32 $0xFFFF9C00  }
0x20: {  	[bflag:$0x0] =	sbarrier.arrive $0xFFFF  }
0x21: {  	s9 =	rddreg [dreg:$0x7]  }
0x22: {  	s6 =	rddreg [dreg:$0x8]  }
0x23: {  	[hbm:s6], [sflag:s9] =	dma.local [spmem:s12], $0x1400  }
0x24: {  	_ =	swait.ge [sflag:s13], $0x1400  }
0x25: {  	s5 =	sadd.s32 $0x1, s5;
	s23 =	rddreg [dreg:$0x6]  }
0x26: {  	p0 =	sne.s32 s5, s23  }
.Ltmp1:
0x27: {  	_ = 	snop;
	(pc) =	sbr.rel @!p0 .LBB2_11-.Ltmp1, $3  }
0x28: {  	_ =	sdelay $0x1  }
0x29: {  	[sflag:s13] =	ssyncset.done $0x0  }
0x2a: {  	s10 =	smov.u32 s12;
	[sflag:s13] =	ssyncadd.s32 $0xFFFFEC00  }
.LBB2_1:
0x2b: {  	s6 =	rddreg [dreg:$0x3]  }
0x2c: {  	[spmem:s10], [sflag:s9] =	dma.local [hbm:s6], $0x1400  }
0x2d: {  	_ =	swait.ge [sflag:s13], $0x1400  }
0x2e: {  	[sflag:s13] =	ssyncset.done $0x0  }
0x2f: {  	[sflag:s13] =	ssyncadd.s32 $0xFFFFEC00  }
0x30: {  	[bflag:$0x0] =	sbarrier.arrive $0xFFFF  }
0x31: {  	[tilespmem:s3], [sflag:$0x7] =	stream.linear.gather [hbm4b:s7+s3], $0x100, $0x38;
	[tilespmem:$0x1D500] =	vst v63  }
0x32: {  	_ =	swait.ge [sflag:s13], $0x100  }
0x33: {  	[sflag:s13] =	ssyncset.done $0x0  }
0x34: {  	[sflag:s13] =	ssyncadd.s32 $0xFFFFFF00  }
0x35: {  	[tilespmem:s14], [sflag:$0x7] =	stream.linear.gather [hbm4b:s8+s3], $0x100, $0x38;
	[tilespmem:$0x1D500] =	vst v63  }
0x36: {  	_ =	swait.ge [sflag:s13], $0x100  }
0x37: {  	[sflag:s13] =	ssyncset.done $0x0  }
0x38: {  	[sflag:s13] =	ssyncadd.s32 $0xFFFFFF00  }
0x39: {  	v1 =	vld [tilespmem:$0x300]  }
0x3a: {  	v2 =	vld [tilespmem:$0x310]  }
0x3b: {  	v3 =	vld [tilespmem:$0x320]  }
0x3c: {  	v4 =	vld [tilespmem:$0x330]  }
0x3d: {  	v5 =	vld [tilespmem:$0x340]  }
0x3e: {  	v6 =	vld [tilespmem:$0x350];
	v1 =	vsub.s32 v1, v0  }
0x3f: {  	v7 =	vld [tilespmem:$0x360];
	v2 =	vsub.s32 v2, v0;
	v1 =	vmin.u32 v1, $0x1388  }
0x40: {  	[tilespmem:$0x600] =	vst v1;
	v1 =	vmin.u32 v2, $0x1388;
	v2 =	vsub.s32 v3, v0;
	v3 =	vld [tilespmem:$0x370]  }
0x41: {  	v52 =	vld [tilespmem:$0x380];
	[tilespmem:$0x610] =	vst v1;
	v1 =	vmin.u32 v2, $0x1388;
	v2 =	vsub.s32 v4, v0  }
0x42: {  	v53 =	vld [tilespmem:$0x390];
	[tilespmem:$0x620] =	vst v1;
	v1 =	vmin.u32 v2, $0x1388;
	v2 =	vsub.s32 v5, v0  }
0x43: {  	v54 =	vld [tilespmem:$0x3A0];
	[tilespmem:$0x630] =	vst v1;
	v1 =	vmin.u32 v2, $0x1388;
	v2 =	vsub.s32 v6, v0  }
0x44: {  	v55 =	vld [tilespmem:$0x3B0];
	[tilespmem:$0x640] =	vst v1;
	v1 =	vmin.u32 v2, $0x1388;
	v2 =	vsub.s32 v7, v0  }
0x45: {  	[tilespmem:$0x650] =	vst v1;
	v1 =	vmin.u32 v2, $0x1388;
	v2 =	vsub.s32 v3, v0;
	v3 =	vld [tilespmem:$0x3C0]  }
0x46: {  	[tilespmem:$0x660] =	vst v1;
	v1 =	vmin.u32 v2, $0x1388;
	v2 =	vsub.s32 v52, v0  }
0x47: {  	[tilespmem:$0x670] =	vst v1;
	v1 =	vmin.u32 v2, $0x1388;
	v2 =	vsub.s32 v53, v0  }
0x48: {  	[tilespmem:$0x680] =	vst v1;
	v1 =	vmin.u32 v2, $0x1388;
	v2 =	vsub.s32 v54, v0  }
0x49: {  	[tilespmem:$0x690] =	vst v1;
	v1 =	vmin.u32 v2, $0x1388;
	v2 =	vsub.s32 v55, v0  }
0x4a: {  	[tilespmem:$0x6A0] =	vst v1;
	v1 =	vmin.u32 v2, $0x1388;
	v2 =	vsub.s32 v3, v0  }
0x4b: {  	[tilespmem:$0x6B0] =	vst v1;
	v1 =	vmin.u32 v2, $0x1388  }
0x4c: {  	[tilespmem:$0x6C0] =	vst v1  }
0x4d: {  	[tilespmem:s16], [sflag:$0x1] =	stream.indirect.gather [hbm4b:s4+s15], $0x80, s3, s15, $0xb8;
	[tilespmem:$0x1D500] =	vst v63  }
0x4e: {  	s11 =	rddreg [dreg:$0x4]  }
0x4f: {  	[tilespmem:s17], [sflag:$0x7] =	stream.linear.gather [hbm4b:s11+s3], $0x100, $0x38;
	[tilespmem:$0x1D500] =	vst v63  }
0x50: {  	_ =	swait.ge [sflag:s13], $0x100  }
0x51: {  	[sflag:s13] =	ssyncset.done $0x0  }
0x52: {  	s23 =	rddreg [dreg:$0x5];
	[sflag:s13] =	ssyncadd.s32 $0xFFFFFF00  }
0x53: {  	[tilespmem:s18], [sflag:$0x7] =	stream.linear.gather [hbm4b:s23+s3], $0x100, $0x38;
	[tilespmem:$0x1D500] =	vst v63  }
0x54: {  	_ =	swait.ge [sflag:s13], $0x100  }
0x55: {  	[sflag:s13] =	ssyncset.done $0x0  }
0x56: {  	[sflag:s13] =	ssyncadd.s32 $0xFFFFFF00  }
0x57: {  	v1 =	vld [tilespmem:$0x400]  }
0x58: {  	v2 =	vld [tilespmem:$0x410]  }
0x59: {  	v3 =	vld [tilespmem:$0x420]  }
0x5a: {  	v56 =	vld [tilespmem:$0x430]  }
0x5b: {  	v57 =	vld [tilespmem:$0x440]  }
0x5c: {  	v58 =	vld [tilespmem:$0x450];
	v1 =	vsub.s32 v1, v0  }
0x5d: {  	v59 =	vld [tilespmem:$0x460];
	v2 =	vsub.s32 v2, v0;
	v1 =	vmin.u32 v1, $0x1388  }
0x5e: {  	[tilespmem:$0x700] =	vst v1;
	v1 =	vmin.u32 v2, $0x1388;
	v2 =	vsub.s32 v3, v0;
	v3 =	vld [tilespmem:$0x470]  }
0x5f: {  	v60 =	vld [tilespmem:$0x480];
	[tilespmem:$0x710] =	vst v1;
	v1 =	vmin.u32 v2, $0x1388;
	v2 =	vsub.s32 v56, v0  }
0x60: {  	v61 =	vld [tilespmem:$0x490];
	[tilespmem:$0x720] =	vst v1;
	v1 =	vmin.u32 v2, $0x1388;
	v2 =	vsub.s32 v57, v0  }
0x61: {  	v62 =	vld [tilespmem:$0x4A0];
	[tilespmem:$0x730] =	vst v1;
	v1 =	vmin.u32 v2, $0x1388;
	v2 =	vsub.s32 v58, v0  }
0x62: {  	v63 =	vld [tilespmem:$0x4B0];
	[tilespmem:$0x740] =	vst v1;
	v1 =	vmin.u32 v2, $0x1388;
	v2 =	vsub.s32 v59, v0  }
0x63: {  	[tilespmem:$0x750] =	vst v1;
	v1 =	vmin.u32 v2, $0x1388;
	v2 =	vsub.s32 v3, v0;
	v3 =	vld [tilespmem:$0x4C0]  }
0x64: {  	[tilespmem:$0x760] =	vst v1;
	v1 =	vmin.u32 v2, $0x1388;
	v2 =	vsub.s32 v60, v0  }
0x65: {  	[tilespmem:$0x770] =	vst v1;
	v1 =	vmin.u32 v2, $0x1388;
	v2 =	vsub.s32 v61, v0  }
0x66: {  	[tilespmem:$0x780] =	vst v1;
	v1 =	vmin.u32 v2, $0x1388;
	v2 =	vsub.s32 v62, v0  }
.Ltmp2:
0x67: {  	[tilespmem:$0x790] =	vst v1;
	v1 =	vmin.u32 v2, $0x1388;
	v2 =	vsub.s32 v63, v0;
	(pc) =	sbr.rel .LBB2_2-.Ltmp2, $4  }
0x68: {  	[tilespmem:$0x7A0] =	vst v1;
	v1 =	vmin.u32 v2, $0x1388;
	v2 =	vsub.s32 v3, v0  }
0x69: {  	[tilespmem:$0x7B0] =	vst v1;
	v1 =	vmin.u32 v2, $0x1388  }
0x6a: {  	s12 =	smov.u32 s10;
	s9 =	simm.s32 $0x0;
	s10 =	simm.s32 $0x0;
	[tilespmem:$0x7C0] =	vst v1  }
0x6b: {  	[tilespmem:s19], [sflag:$0x2] =	stream.indirect.gather [hbm4b:s4+s15], $0x80, s17, s15, $0xb8;
	[tilespmem:$0x1D500] =	vst v63  }
.LBB2_9:
0x6c: {  	s9 =	sadd.s32 $0x600, s9  }
0x6d: {  	p0 =	sne.s32 s9, $0xCC00  }
.Ltmp3:
0x6e: {  	_ = 	snop;
	(pc) =	sbr.rel @!p0 .LBB2_10-.Ltmp3, $4  }
0x6f: {  	_ =	swait.ge [sflag:s0], $0x6400  }
0x70: {  	[sflag:s0] =	ssyncset.done $0x0  }
0x71: {  	s10 =	sadd.s32 $0x1, s10;
	[sflag:s0] =	ssyncadd.s32 $0xFFFF9C00  }
0x72: {  	[spmem:s2] =	stream.indirect.scatter.add.f32 [tilespmem:s22], [sflag:$0x6], $0x80, s1, s15, $0xb8;
	[tilespmem:$0x1D500] =	vst v63  }
.LBB2_2:
0x73: {  	p0 =	seq.s32 s10, $0x0  }
.Ltmp4:
0x74: {  	_ = 	snop;
	(pc) =	sbr.rel @p0 .LBB2_5-.Ltmp4, $1  }
0x75: {  	_ =	sdelay $0x3  }
0x76: {  	p0 =	seq.s32 s10, $0x21  }
.Ltmp5:
0x77: {  	_ = 	snop;
	(pc) =	sbr.rel @p0 .LBB2_6-.Ltmp5, $1  }
0x78: {  	_ =	sdelay $0x3  }
0x79: {  	_ =	swait.ge [sflag:s28], $0x6400  }
0x7a: {  	[sflag:s28] =	ssyncset.done $0x0  }
0x7b: {  	[sflag:s28] =	ssyncadd.s32 $0xFFFF9C00  }
.LBB2_5:
0x7c: {  	s11 =	sadd.s32 s9, s7  }
0x7d: {  	s11 =	sadd.s32 $0x400, s11  }
0x7e: {  	[tilespmem:s20], [sflag:$0x7] =	stream.linear.gather [hbm4b:s11+s3], $0x100, $0x38;
	[tilespmem:$0x1D500] =	vst v63  }
0x7f: {  	_ =	swait.ge [sflag:s13], $0x100  }
0x80: {  	s23 =	sadd.s32 s9, s8;
	[sflag:s13] =	ssyncset.done $0x0  }
0x81: {  	s11 =	sadd.s32 $0x400, s23;
	[sflag:s13] =	ssyncadd.s32 $0xFFFFFF00  }
0x82: {  	[tilespmem:s21], [sflag:$0x7] =	stream.linear.gather [hbm4b:s11+s3], $0x100, $0x38;
	[tilespmem:$0x1D500] =	vst v63  }
0x83: {  	_ =	swait.ge [sflag:s13], $0x100  }
0x84: {  	[sflag:s13] =	ssyncset.done $0x0  }
0x85: {  	[sflag:s13] =	ssyncadd.s32 $0xFFFFFF00  }
0x86: {  	v1 =	vld [tilespmem:$0x500]  }
0x87: {  	v2 =	vld [tilespmem:$0x510]  }
0x88: {  	v3 =	vld [tilespmem:$0x520]  }
0x89: {  	v4 =	vld [tilespmem:$0x530]  }
0x8a: {  	v5 =	vld [tilespmem:$0x540]  }
0x8b: {  	v6 =	vld [tilespmem:$0x550];
	v1 =	vsub.s32 v1, v0  }
0x8c: {  	v7 =	vld [tilespmem:$0x560];
	v2 =	vsub.s32 v2, v0;
	v1 =	vmin.u32 v1, $0x1388  }
0x8d: {  	[tilespmem:$0x800] =	vst v1;
	v1 =	vmin.u32 v2, $0x1388;
	v2 =	vsub.s32 v3, v0;
	v3 =	vld [tilespmem:$0x570]  }
0x8e: {  	v60 =	vld [tilespmem:$0x580];
	[tilespmem:$0x810] =	vst v1;
	v1 =	vmin.u32 v2, $0x1388;
	v2 =	vsub.s32 v4, v0  }
0x8f: {  	v61 =	vld [tilespmem:$0x590];
	[tilespmem:$0x820] =	vst v1;
	v1 =	vmin.u32 v2, $0x1388;
	v2 =	vsub.s32 v5, v0  }
0x90: {  	v62 =	vld [tilespmem:$0x5A0];
	[tilespmem:$0x830] =	vst v1;
	v1 =	vmin.u32 v2, $0x1388;
	v2 =	vsub.s32 v6, v0  }
0x91: {  	v63 =	vld [tilespmem:$0x5B0];
	[tilespmem:$0x840] =	vst v1;
	v1 =	vmin.u32 v2, $0x1388;
	v2 =	vsub.s32 v7, v0  }
0x92: {  	[tilespmem:$0x850] =	vst v1;
	v1 =	vmin.u32 v2, $0x1388;
	v2 =	vsub.s32 v3, v0;
	v3 =	vld [tilespmem:$0x5C0]  }
0x93: {  	[tilespmem:$0x860] =	vst v1;
	v1 =	vmin.u32 v2, $0x1388;
	v2 =	vsub.s32 v60, v0  }
0x94: {  	[tilespmem:$0x870] =	vst v1;
	v1 =	vmin.u32 v2, $0x1388;
	v2 =	vsub.s32 v61, v0  }
0x95: {  	[tilespmem:$0x880] =	vst v1;
	v1 =	vmin.u32 v2, $0x1388;
	v2 =	vsub.s32 v62, v0  }
0x96: {  	[tilespmem:$0x890] =	vst v1;
	v1 =	vmin.u32 v2, $0x1388;
	v2 =	vsub.s32 v63, v0  }
0x97: {  	[tilespmem:$0x8A0] =	vst v1;
	v1 =	vmin.u32 v2, $0x1388;
	v2 =	vsub.s32 v3, v0  }
0x98: {  	[tilespmem:$0x8B0] =	vst v1;
	v1 =	vmin.u32 v2, $0x1388  }
0x99: {  	[tilespmem:$0x8C0] =	vst v1  }
0x9a: {  	[tilespmem:s22], [sflag:$0x3] =	stream.indirect.gather [hbm4b:s4+s15], $0x80, s20, s15, $0xb8;
	[tilespmem:$0x1D500] =	vst v63  }
.LBB2_6:
0x9b: {  	p0 =	seq.s32 s9, $0xC600  }
.Ltmp6:
0x9c: {  	_ = 	snop;
	(pc) =	sbr.rel @p0 .LBB2_10-.Ltmp6, $4  }
0x9d: {  	_ =	swait.ge [sflag:s24], $0x6400  }
0x9e: {  	[sflag:s24] =	ssyncset.done $0x0  }
0x9f: {  	[sflag:s24] =	ssyncadd.s32 $0xFFFF9C00  }
0xa0: {  	[spmem:s2] =	stream.indirect.scatter.add.f32 [tilespmem:s16], [sflag:$0x4], $0x80, s25, s15, $0xb8;
	[tilespmem:$0x1D500] =	vst v63  }
0xa1: {  	_ =	swait.ge [sflag:s26], $0x6400  }
0xa2: {  	s11 =	sadd.s32 s9, s7;
	[sflag:s26] =	ssyncset.done $0x0  }
0xa3: {  	s23 =	sadd.s32 $0x600, s11;
	[sflag:s26] =	ssyncadd.s32 $0xFFFF9C00  }
0xa4: {  	[tilespmem:s3], [sflag:$0x7] =	stream.linear.gather [hbm4b:s23+s3], $0x100, $0x38;
	[tilespmem:$0x1D500] =	vst v63  }
0xa5: {  	_ =	swait.ge [sflag:s13], $0x100  }
0xa6: {  	s23 =	sadd.s32 s9, s8;
	[sflag:s13] =	ssyncset.done $0x0  }
0xa7: {  	s6 =	sadd.s32 $0x600, s23;
	[sflag:s13] =	ssyncadd.s32 $0xFFFFFF00  }
0xa8: {  	[tilespmem:s14], [sflag:$0x7] =	stream.linear.gather [hbm4b:s6+s3], $0x100, $0x38;
	[tilespmem:$0x1D500] =	vst v63  }
0xa9: {  	_ =	swait.ge [sflag:s13], $0x100  }
0xaa: {  	[sflag:s13] =	ssyncset.done $0x0  }
0xab: {  	[sflag:s13] =	ssyncadd.s32 $0xFFFFFF00  }
0xac: {  	v1 =	vld [tilespmem:$0x300]  }
0xad: {  	v2 =	vld [tilespmem:$0x310]  }
0xae: {  	v3 =	vld [tilespmem:$0x320]  }
0xaf: {  	v4 =	vld [tilespmem:$0x330]  }
0xb0: {  	v5 =	vld [tilespmem:$0x340]  }
0xb1: {  	v6 =	vld [tilespmem:$0x350];
	v1 =	vsub.s32 v1, v0  }
0xb2: {  	v7 =	vld [tilespmem:$0x360];
	v2 =	vsub.s32 v2, v0;
	v1 =	vmin.u32 v1, $0x1388  }
0xb3: {  	[tilespmem:$0x600] =	vst v1;
	v1 =	vmin.u32 v2, $0x1388;
	v2 =	vsub.s32 v3, v0;
	v3 =	vld [tilespmem:$0x370]  }
0xb4: {  	v60 =	vld [tilespmem:$0x380];
	[tilespmem:$0x610] =	vst v1;
	v1 =	vmin.u32 v2, $0x1388;
	v2 =	vsub.s32 v4, v0  }
0xb5: {  	v61 =	vld [tilespmem:$0x390];
	[tilespmem:$0x620] =	vst v1;
	v1 =	vmin.u32 v2, $0x1388;
	v2 =	vsub.s32 v5, v0  }
0xb6: {  	v62 =	vld [tilespmem:$0x3A0];
	[tilespmem:$0x630] =	vst v1;
	v1 =	vmin.u32 v2, $0x1388;
	v2 =	vsub.s32 v6, v0  }
0xb7: {  	v63 =	vld [tilespmem:$0x3B0];
	[tilespmem:$0x640] =	vst v1;
	v1 =	vmin.u32 v2, $0x1388;
	v2 =	vsub.s32 v7, v0  }
0xb8: {  	[tilespmem:$0x650] =	vst v1;
	v1 =	vmin.u32 v2, $0x1388;
	v2 =	vsub.s32 v3, v0;
	v3 =	vld [tilespmem:$0x3C0]  }
0xb9: {  	[tilespmem:$0x660] =	vst v1;
	v1 =	vmin.u32 v2, $0x1388;
	v2 =	vsub.s32 v60, v0  }
0xba: {  	[tilespmem:$0x670] =	vst v1;
	v1 =	vmin.u32 v2, $0x1388;
	v2 =	vsub.s32 v61, v0  }
0xbb: {  	[tilespmem:$0x680] =	vst v1;
	v1 =	vmin.u32 v2, $0x1388;
	v2 =	vsub.s32 v62, v0  }
0xbc: {  	[tilespmem:$0x690] =	vst v1;
	v1 =	vmin.u32 v2, $0x1388;
	v2 =	vsub.s32 v63, v0  }
0xbd: {  	[tilespmem:$0x6A0] =	vst v1;
	v1 =	vmin.u32 v2, $0x1388;
	v2 =	vsub.s32 v3, v0  }
0xbe: {  	[tilespmem:$0x6B0] =	vst v1;
	v1 =	vmin.u32 v2, $0x1388  }
0xbf: {  	p0 =	sgt.u32 s10, $0x1F;
	[tilespmem:$0x6C0] =	vst v1  }
0xc0: {  	[tilespmem:s16], [sflag:$0x1] =	stream.indirect.gather [hbm4b:s4+s15], $0x80, s3, s15, $0xb8;
	[tilespmem:$0x1D500] =	vst v63  }
.Ltmp7:
0xc1: {  	_ = 	snop;
	(pc) =	sbr.rel @p0 .LBB2_9-.Ltmp7, $4  }
0xc2: {  	_ =	swait.ge [sflag:s30], $0x6400  }
0xc3: {  	[sflag:s30] =	ssyncset.done $0x0  }
0xc4: {  	[sflag:s30] =	ssyncadd.s32 $0xFFFF9C00  }
0xc5: {  	[spmem:s2] =	stream.indirect.scatter.add.f32 [tilespmem:s19], [sflag:$0x5], $0x80, s31, s15, $0xb8;
	[tilespmem:$0x1D500] =	vst v63  }
0xc6: {  	_ =	swait.ge [sflag:s29], $0x6400  }
0xc7: {  	[sflag:s29] =	ssyncset.done $0x0  }
0xc8: {  	s6 =	sadd.s32 $0x800, s11;
	[sflag:s29] =	ssyncadd.s32 $0xFFFF9C00  }
0xc9: {  	[tilespmem:s17], [sflag:$0x7] =	stream.linear.gather [hbm4b:s6+s3], $0x100, $0x38;
	[tilespmem:$0x1D500] =	vst v63  }
0xca: {  	_ =	swait.ge [sflag:s13], $0x100  }
0xcb: {  	[sflag:s13] =	ssyncset.done $0x0  }
0xcc: {  	s23 =	sadd.s32 $0x800, s23;
	[sflag:s13] =	ssyncadd.s32 $0xFFFFFF00  }
0xcd: {  	[tilespmem:s18], [sflag:$0x7] =	stream.linear.gather [hbm4b:s23+s3], $0x100, $0x38;
	[tilespmem:$0x1D500] =	vst v63  }
0xce: {  	_ =	swait.ge [sflag:s13], $0x100  }
0xcf: {  	[sflag:s13] =	ssyncset.done $0x0  }
0xd0: {  	[sflag:s13] =	ssyncadd.s32 $0xFFFFFF00  }
0xd1: {  	v1 =	vld [tilespmem:$0x400]  }
0xd2: {  	v2 =	vld [tilespmem:$0x410]  }
0xd3: {  	v3 =	vld [tilespmem:$0x420]  }
0xd4: {  	v4 =	vld [tilespmem:$0x430]  }
0xd5: {  	v5 =	vld [tilespmem:$0x440]  }
0xd6: {  	v6 =	vld [tilespmem:$0x450];
	v1 =	vsub.s32 v1, v0  }
0xd7: {  	v7 =	vld [tilespmem:$0x460];
	v2 =	vsub.s32 v2, v0;
	v1 =	vmin.u32 v1, $0x1388  }
0xd8: {  	[tilespmem:$0x700] =	vst v1;
	v1 =	vmin.u32 v2, $0x1388;
	v2 =	vsub.s32 v3, v0;
	v3 =	vld [tilespmem:$0x470]  }
0xd9: {  	v60 =	vld [tilespmem:$0x480];
	[tilespmem:$0x710] =	vst v1;
	v1 =	vmin.u32 v2, $0x1388;
	v2 =	vsub.s32 v4, v0  }
0xda: {  	v61 =	vld [tilespmem:$0x490];
	[tilespmem:$0x720] =	vst v1;
	v1 =	vmin.u32 v2, $0x1388;
	v2 =	vsub.s32 v5, v0  }
0xdb: {  	v62 =	vld [tilespmem:$0x4A0];
	[tilespmem:$0x730] =	vst v1;
	v1 =	vmin.u32 v2, $0x1388;
	v2 =	vsub.s32 v6, v0  }
0xdc: {  	v63 =	vld [tilespmem:$0x4B0];
	[tilespmem:$0x740] =	vst v1;
	v1 =	vmin.u32 v2, $0x1388;
	v2 =	vsub.s32 v7, v0  }
0xdd: {  	[tilespmem:$0x750] =	vst v1;
	v1 =	vmin.u32 v2, $0x1388;
	v2 =	vsub.s32 v3, v0;
	v3 =	vld [tilespmem:$0x4C0]  }
0xde: {  	[tilespmem:$0x760] =	vst v1;
	v1 =	vmin.u32 v2, $0x1388;
	v2 =	vsub.s32 v60, v0  }
0xdf: {  	[tilespmem:$0x770] =	vst v1;
	v1 =	vmin.u32 v2, $0x1388;
	v2 =	vsub.s32 v61, v0  }
0xe0: {  	[tilespmem:$0x780] =	vst v1;
	v1 =	vmin.u32 v2, $0x1388;
	v2 =	vsub.s32 v62, v0  }
.Ltmp8:
0xe1: {  	[tilespmem:$0x790] =	vst v1;
	v1 =	vmin.u32 v2, $0x1388;
	v2 =	vsub.s32 v63, v0;
	(pc) =	sbr.rel .LBB2_9-.Ltmp8, $4  }
0xe2: {  	[tilespmem:$0x7A0] =	vst v1;
	v1 =	vmin.u32 v2, $0x1388;
	v2 =	vsub.s32 v3, v0  }
0xe3: {  	[tilespmem:$0x7B0] =	vst v1;
	v1 =	vmin.u32 v2, $0x1388  }
0xe4: {  	[tilespmem:$0x7C0] =	vst v1  }
0xe5: {  	[tilespmem:s19], [sflag:$0x2] =	stream.indirect.gather [hbm4b:s4+s15], $0x80, s17, s15, $0xb8;
	[tilespmem:$0x1D500] =	vst v63  }
.LBB2_11:
0xe6: {  	_ =	sfence.sel $0x180000  }
0xe7: {  	[bflag:$0x0] =	sbarrier.arrive $0xFFFF  }
0xe8: {  	_ =	strace $0x9000004A  }
0xe9: {  	s0 =	stileid.u32;
	[bflag:$0x2] =	sbarrier.arrive $0xFFFF  }
0xea: {  	p0 =	sne.s32 s0, $0x0;
	s0 =	rddreg [dreg:$0x2]  }
0xeb: {  	s0 =	sadd.s32 @!p0 $0x100000, s0  }
0xec: {  	[sflag:s0] =	ssyncadd.tile.s32 @!p0 $0x1;
	_ =	shalt  }
.Lfunc_end2:
_tile_overlayer_lowered:
.L_overlay_start_2:
0xed: {  	(tag) =	ssettag $0x2  }
0xee: {  	s0 =	rddreg [dreg:$0x0];
	s2 =	stileid.u32  }
0xef: {  	s1 =	rddreg [dreg:$0x1];
	p0 =	sne.s32 s2, $0x0  }
0xf0: {  	s3 =	rddreg [dreg:$0x2];
	[bflag:$0x3] =	sbarrier.arrive $0xFFFF;
	s2 =	simm.s32 @!p0 $0x1C07  }
0xf1: {  	[timem:s3], [sflag:s2] =	dma.local @!p0 [hbm:s0], s1  }
0xf2: {  	s0 =	simm.s32 @!p0 $0x7  }
0xf3: {  	_ =	swait.ge @!p0 [sflag:s0], s1  }
0xf4: {  	s1 =	ssub.s32 @!p0 $0x0, s1;
	[sflag:s0] =	ssyncset.done @!p0 $0x0  }
0xf5: {  	[sflag:s0] =	ssyncadd.s32 @!p0 s1  }
0xf6: {  	[bflag:$0x3] =	sbarrier.arrive $0xFFFF  }
0xf7: {  	_ =	shalt  }

// kernel: kernel.15.cloned.1.call-start
scs
__scs_entry_jumppad:
0x0: {  	(pc) =	sbr.rel $0x88, $3  }
0x1: {  	(tag) =	ssettag $0x0;
	lr =	simm.s32 $0x1  }
0x2: {  	[smem:$0x3F9B] =	sst lr;
	_ =	strace $0xD0000000  }
0x3: {  	_ = 	snop  }
0x4: {  	_ = 	snop  }
0x5: {  	_ = 	snop  }
0x6: {  	_ = 	snop  }
0x7: {  	_ = 	snop  }
__scs_overlays_trampoline_lowered:
0x8: {  	[smem:$0x3FAA] =	sst s0  }
0x9: {  	[smem:$0x3FAB] =	sst s1  }
0xa: {  	[smem:$0x3FAC] =	sst s2  }
0xb: {  	[smem:$0x3FAD] =	sst s3  }
0xc: {  	[smem:$0x3FAE] =	sst s4  }
0xd: {  	[smem:$0x3FAF] =	sst s5  }
0xe: {  	[smem:$0x3FB0] =	sst s6  }
0xf: {  	[smem:$0x3FB1] =	sst s7  }
0x10: {  	[smem:$0x3FB2] =	sst s8  }
0x11: {  	[smem:$0x3FB3] =	sst s9;
	s0 =	simm.s32 @!p0 $0x0  }
0x12: {  	s1 =	sld [smem:$0x3F99];
	s0 =	simm.s32 @p0 $0x1  }
0x13: {  	[smem:$0x3FB4] =	sst s0;
	s0 =	simm.s32 @!p1 $0x0  }
0x14: {  	s2 =	sld [smem:$0x3F98];
	s0 =	simm.s32 @p1 $0x1  }
0x15: {  	[smem:$0x3FB5] =	sst s0;
	s0 =	simm.s32 @!p2 $0x0  }
0x16: {  	s3 =	sld [smem:$0x3FDB];
	s0 =	simm.s32 @p2 $0x1  }
0x17: {  	s4 =	simm.s32 $0x1BF5;
	[smem:$0x3FB7] =	sst s0  }
0x18: {  	s0 =	sld [smem:$0x3F9A];
	_ =	swait.ge [sflag:s4], $0x0  }
0x19: {  	s7 =	sld [smem:$0x3F9B]  }
0x1a: {  	s8 =	sadd.s32 $0xFFFFE003, lr  }
0x1b: {  	s9 =	sadd.s32 $0xFFFFFEF7, lr;
	s5 =	simm.s32 $0xFFFFFFFF;
	p2 =	slt.u32 s8, $0xFFFFF086  }
0x1c: {  	p1 =	slt.u32 s9, $0xF7A;
	s5 =	simm.s32 @!p2 $0x0  }
0x1d: {  	s5 =	simm.s32 @p1 $0x1;
	p0 =	seq.s32 s7, s2  }
0x1e: {  	s7 =	smul.u32 @!p0 $0xF7A, s2;
	p2 =	seq.s32 @!p0 s5, $0x0  }
0x1f: {  	s9 =	smul.u32 $0xF7A, s1;
	s8 =	simm.s32 @!p0 $0x1BF5;
	p2 =	por !p2, p0  }
0x20: {  	[sflag:s8] =	ssyncset.s32 @!p0 $0xFFFFF086;
	s6 =	sadd.s32 @!p0 s3, s7;
	s7 =	simm.s32 @!p0 $0x108  }
0x21: {  	s3 =	sadd.s32 s3, s9;
	s6 =	sadd.s32 @!p0 $0x88, s6;
	s7 =	simm.s32 @p2 $0x1082  }
0x22: {  	[simem:s7], [sflag:s8] =	dma.local @!p0 [hbm:s6], $0xF7A  }
0x23: {  	s9 =	sor.u32 $0xD0000000, s2;
	s6 =	simm.s32 $0x108;
	_ =	swait.ge @!p0 [sflag:s8], $0x0  }
0x24: {  	s3 =	sadd.s32 $0x88, s3;
	s6 =	simm.s32 @!p1 $0x1082;
	[sflag:s4] =	ssyncset.s32 $0xFFFFF086  }
0x25: {  	[simem:s6], [sflag:s4] =	dma.local [hbm:s3], $0xF7A  }
0x26: {  	[smem:$0x3F9B] =	sst s1;
	(tag) =	ssettag s2;
	_ =	strace s9  }
0x27: {  	s1 =	sld [smem:$0x3FAB]  }
0x28: {  	s2 =	sld [smem:$0x3FAC]  }
0x29: {  	s4 =	sld [smem:$0x3FAE]  }
0x2a: {  	p0 =	seq.s32 s5, $0x0;
	s5 =	sld [smem:$0x3FAF]  }
0x2b: {  	s6 =	sld [smem:$0x3FB0]  }
0x2c: {  	s7 =	sld [smem:$0x3FB1]  }
0x2d: {  	s3 =	simm.s32 $0x108;
	s8 =	sld [smem:$0x3FB2]  }
0x2e: {  	s3 =	simm.s32 @!p0 $0x1082;
	s9 =	sld [smem:$0x3FB3]  }
0x2f: {  	lr =	sadd.s32 s0, s3;
	s0 =	sld [smem:$0x3FAA]  }
0x30: {  	s3 =	sld [smem:$0x3FAD]  }
0x31: {  	[smem:$0x3FB6] =	sst s10  }
0x32: {  	s10 =	sld [smem:$0x3FB4];
	_ =	sdelay $0x3  }
0x33: {  	p0 =	seq.s32 s10, $0x1;
	s10 =	sld [smem:$0x3FB6];
	_ =	sdelay $0x3  }
0x34: {  	[smem:$0x3FB6] =	sst s10  }
0x35: {  	s10 =	sld [smem:$0x3FB5];
	_ =	sdelay $0x3  }
0x36: {  	p1 =	seq.s32 s10, $0x1;
	s10 =	sld [smem:$0x3FB6];
	_ =	sdelay $0x3  }
0x37: {  	[smem:$0x3FB6] =	sst s10  }
0x38: {  	s10 =	sld [smem:$0x3FB7]  }
0x39: {  	_ = 	snop;
	(pc) =	sbr.ind lr, $3  }
0x3a: {  	_ = 	snop  }
0x3b: {  	_ = 	snop  }
0x3c: {  	p2 =	seq.s32 s10, $0x1;
	s10 =	sld [smem:$0x3FB6]  }
0x3d: {  	_ =	shalt  }
0x3e: {  	_ =	shalt  }
0x3f: {  	_ =	shalt  }
0x40: {  	_ =	shalt  }
0x41: {  	_ =	shalt  }
0x42: {  	_ =	shalt  }
0x43: {  	_ =	shalt  }
0x44: {  	_ =	shalt  }
0x45: {  	_ =	shalt  }
0x46: {  	_ =	shalt  }
0x47: {  	_ =	shalt  }
0x48: {  	_ =	shalt  }
0x49: {  	_ =	shalt  }
0x4a: {  	_ =	shalt  }
0x4b: {  	_ =	shalt  }
0x4c: {  	_ =	shalt  }
0x4d: {  	_ =	shalt  }
0x4e: {  	_ =	shalt  }
0x4f: {  	_ =	shalt  }
0x50: {  	_ =	shalt  }
0x51: {  	_ =	shalt  }
0x52: {  	_ =	shalt  }
0x53: {  	_ =	shalt  }
0x54: {  	_ =	shalt  }
0x55: {  	_ =	shalt  }
0x56: {  	_ =	shalt  }
0x57: {  	_ =	shalt  }
0x58: {  	_ =	shalt  }
0x59: {  	_ =	shalt  }
0x5a: {  	_ =	shalt  }
0x5b: {  	_ =	shalt  }
0x5c: {  	_ =	shalt  }
0x5d: {  	_ =	shalt  }
0x5e: {  	_ =	shalt  }
0x5f: {  	_ =	shalt  }
0x60: {  	_ =	shalt  }
0x61: {  	_ =	shalt  }
0x62: {  	_ =	shalt  }
0x63: {  	_ =	shalt  }
0x64: {  	_ =	shalt  }
0x65: {  	_ =	shalt  }
0x66: {  	_ =	shalt  }
0x67: {  	_ =	shalt  }
0x68: {  	_ =	shalt  }
0x69: {  	_ =	shalt  }
0x6a: {  	_ =	shalt  }
0x6b: {  	_ =	shalt  }
0x6c: {  	_ =	shalt  }
0x6d: {  	_ =	shalt  }
0x6e: {  	_ =	shalt  }
0x6f: {  	_ =	shalt  }
0x70: {  	_ =	shalt  }
0x71: {  	_ =	shalt  }
0x72: {  	_ =	shalt  }
0x73: {  	_ =	shalt  }
0x74: {  	_ =	shalt  }
0x75: {  	_ =	shalt  }
0x76: {  	_ =	shalt  }
0x77: {  	_ =	shalt  }
0x78: {  	_ =	shalt  }
0x79: {  	_ =	shalt  }
0x7a: {  	_ =	shalt  }
0x7b: {  	_ =	shalt  }
0x7c: {  	_ =	shalt  }
0x7d: {  	_ =	shalt  }
0x7e: {  	_ =	shalt  }
0x7f: {  	_ =	shalt  }
0x80: {  	_ =	shalt  }
0x81: {  	_ =	shalt  }
0x82: {  	_ =	shalt  }
0x83: {  	_ =	shalt  }
0x84: {  	_ =	shalt  }
0x85: {  	_ =	shalt  }
0x86: {  	_ =	shalt  }
0x87: {  	_ =	shalt  }
.Lfunc_end0:
.L_simem_size_0:
called_computation.2_lowered:
.L_overlay_start_0:
0x88: {  	s2 =	sld [smem:$0x3FD9]  }
0x89: {  	s3 =	sld [smem:$0x3FFE];
	_ =	sdelay $0x1  }
0x8a: {  	s1 =	srdreg.scid  }
0x8b: {  	s0 =	sand.u32 $0x1, s1  }
0x8c: {  	s17 =	sshll.u32 s0, $0xA;
	s2 =	sadd.s32 s3, s2  }
0x8d: {  	s2 =	sadd.s32 s2, s17  }
0x8e: {  	[smem:$0x3FC2] =	sst s2  }
0x8f: {  	_ = 	snop  }
0x90: {  	s2 =	sld [smem:$0x3FD0];
	(tm) =	ssettm $0x1  }
0x91: {  	s18 =	sld [smem:$0x3FFB];
	_ =	sdelay $0x3  }
0x92: {  	_ =	strace s18  }
0x93: {  	s3 =	sld [smem:$0x3FFC];
	_ =	sdelay $0x3  }
0x94: {  	_ =	strace s3  }
0x95: {  	s3 =	sld [smem:$0x3FFD];
	_ =	sdelay $0x3  }
0x96: {  	_ =	strace s3  }
0x97: {  	_ =	strace $0x8FFFFFFF  }
0x98: {  	s19 =	sld [smem:$0x3FDB];
	_ =	sdelay $0x1  }
0x99: {  	s4 =	simm.s32 $_scs_section_size  }
0x9a: {  	s5 =	simm.s32 $_size__tile_overlayer_lowered;
	s6 =	simm.s32 $_tile_overlayer_lowered  }
0x9b: {  	s22 =	simm.s32 $0x1BFF;
	s21 =	sshll.u32 s6, $0x1;
	s3 =	sadd.s32 s4, s19  }
0x9c: {  	s7 =	simm.s32 $0x0;
	s20 =	sshll.u32 s5, $0x1;
	s5 =	sadd.s32 s21, s3  }
0x9d: {  	[timem:s7], [sflag:s22] =	dma.local [hbm:s5], s20  }
0x9e: {  	_ =	swait.ge [sflag:s22], s20  }
0x9f: {  	s4 =	ssub.s32 $0x0, s20;
	[sflag:s22] =	ssyncset.done $0x0  }
0xa0: {  	[sflag:s22] =	ssyncadd.s32 s4;
	_ =	sdelay $0x1  }
0xa1: {  	s23 =	simm.s32 $0x1B8B  }
0xa2: {  	_ =	swait.ge [sflag:s23], $0x1  }
0xa3: {  	[sflag:s23] =	ssyncset.done $0x0  }
0xa4: {  	s25 =	simm.s32 $0x1B8E;
	s24 =	sld [smem:$0x3FFE];
	[sflag:s23] =	ssyncadd.s32 $0xFFFFFFFF  }
0xa5: {  	s26 =	simm.s32 $execute0_lowered;
	[smem:$0x3FD2] =	sst s25  }
0xa6: {  	s5 =	sshll.u32 s26, $0x1;
	_ =	strace $0x8000004C;
	[dreg:$0x1] =	wrdreg $0xFFFFFFFF  }
0xa7: {  	s28 =	simm.s32 $_size_execute0_lowered;
	s3 =	sadd.s32 s3, s5;
	[dreg:$0x0] =	wrdreg $0x0  }
0xa8: {  	s5 =	sshll.u32 s28, $0x1;
	[dreg:$0x2] =	wrdreg s3  }
0xa9: {  	[dreg:$0x3] =	wrdreg s5  }
0xaa: {  	[dreg:$0x4] =	wrdreg $0xC0  }
0xab: {  	_ =	task [dreg:s7], $0x5FFFF  }
0xac: {  	[dreg:$0x1] =	wrdreg $0xFFFFFFFF  }
0xad: {  	[dreg:$0x0] =	wrdreg $0x60  }
0xae: {  	[dreg:$0x2] =	wrdreg s2  }
0xaf: {  	[dreg:$0x3] =	wrdreg s24  }
0xb0: {  	[dreg:$0x4] =	wrdreg $0x9  }
0xb1: {  	_ =	task.clear_ibuf [dreg:s7], $0x5FFFF;
	_ =	strace $0x9000004C  }
0xb2: {  	s29 =	simm.s32 $0x9;
	_ =	strace $0x8000004E  }
0xb3: {  	_ =	swait.ge [sflag:s29], $0x1  }
0xb4: {  	[sflag:s29] =	ssyncadd.s32 $0xFFFFFFFF  }
0xb5: {  	_ =	strace $0x9000004E  }
0xb6: {  	_ =	sfence  }
0xb7: {  	s30 =	sld [smem:$0x0];
	_ =	sdelay $0x2  }
0xb8: {  	s31 =	sshll.u32 s1, $0xD;
	s1 =	sshrl.u32 s1, $0x2  }
0xb9: {  	s3 =	sand.u32 $0x4000, s31;
	s1 =	sadd.s32 s1, s30  }
0xba: {  	s0 =	sor.u32 s3, s0;
	s1 =	sshll.u32 s1, $0x11  }
0xbb: {  	s0 =	sor.u32 s1, s0  }
0xbc: {  	s0 =	sadd.s32 $0x8F2B, s0  }
0xbd: {  	[sflag:s0] =	ssyncadd.remote.s32 $0x1  }
0xbe: {  	_ =	sfence.sel $0xFFFF  }
0xbf: {  	[dreg:$0x0] =	wrdreg $0xFFFFFFFF;
	(pc) =	sbr.abs _section_cstart, $3  }
0xc0: {  	[dreg:$0x1] =	wrdreg $0xFFFFFFFF  }
0xc1: {  	_ =	task.clear_ibuf [dreg:s7], $0x2FFFF;
	_ =	strace $0x9FFFFFFF  }
0xc2: {  	(tm) =	ssettm $0x7FFFFFFF  }
0xc3: {  	_ =	shalt  }
tec
execute0_lowered:
.L_overlay_start_1:
0x0: {  	(tag) =	ssettag $0x1  }
0x1: {  	s2 =	rddreg [dreg:$0x0];
	s1 =	srdreg.scid  }
0x2: {  	s0 =	stileid.u32;
	s4 =	rddreg [dreg:$0x1]  }
0x3: {  	s8 =	simm.s32 $0x1;
	s9 =	simm.s32 $0x2780;
	s10 =	simm.s32 $0x4F00  }
0x4: {  	s11 =	simm.s32 $0x7680;
	s5 =	sand.u32 $0x1, s1;
	s3 =	sshll.u32 s0, $0x1  }
0x5: {  	s1 =	rddreg [dreg:$0x2];
	s6 =	sor.u32 s5, s3;
	s5 =	ssub.s32 $0x2, s5  }
0x6: {  	s3 =	simm.s32 $0x0;
	s6 =	smul.u32 $0x4F0, s6;
	s7 =	sshrl.u32 s5, $0x1  }
0x7: {  	s12 =	simm.s32 $0x0;
	[smem:$0x7FF] =	sst s3;
	s7 =	ssub.s32 s5, s7  }
0x8: {  	_ =	strace $0x8000004D;
	s6 =	sadd.s32 s6, s4;
	s7 =	smax.u32 s7, $0x1  }
0x9: {  	v0 =	vimm.f32 $0.0e+00;
	s4 =	sadd.s32 $0x1800, s6;
	s5 =	sadd.s32 $0xB600, s6;
	s6 =	sadd.s32 $0x15400, s6  }
.LBB2_1:
0xa: {  	[tilespmem:s3], [sflag:$0x1] =	stream.linear.gather [hbm4b:s2+s3], $0x2780, $0x38;
	[tilespmem:$0x9E00] =	vst v63  }
0xb: {  	_ =	swait.ge [sflag:s8], $0x2780  }
0xc: {  	[sflag:s8] =	ssyncset.done $0x0  }
0xd: {  	[sflag:s8] =	ssyncadd.s32 $0xFFFFD880  }
0xe: {  	[tilespmem:s9], [sflag:$0x1] =	stream.linear.gather [hbm4b:s4+s3], $0x2780, $0x38;
	[tilespmem:$0x9E00] =	vst v63  }
0xf: {  	_ =	swait.ge [sflag:s8], $0x2780  }
0x10: {  	[sflag:s8] =	ssyncset.done $0x0  }
0x11: {  	[sflag:s8] =	ssyncadd.s32 $0xFFFFD880  }
0x12: {  	[tilespmem:s10], [sflag:$0x1] =	stream.linear.gather [hbm4b:s5+s3], $0x2780, $0x38;
	[tilespmem:$0x9E00] =	vst v63  }
0x13: {  	_ =	swait.ge [sflag:s8], $0x2780  }
0x14: {  	[sflag:s8] =	ssyncset.done $0x0  }
0x15: {  	s13 =	simm.s32 $0x0;
	[sflag:s8] =	ssyncadd.s32 $0xFFFFD880  }
.LBB2_2:
0x16: {  	p0 =	sne.s32 s13, $0x9C00  }
.Ltmp0:
0x17: {  	_ = 	snop;
	(pc) =	sbr.rel @p0 .LBB2_2-.Ltmp0, $3  }
0x18: {  	_ =	sdelay $0x1  }
0x19: {  	s14 =	sshra.s32 s13, $0x2  }
0x1a: {  	s13 =	sadd.s32 $0x40, s13;
	[tilespmem:s14+$0x7680] =	vst v0  }
0x1b: {  	s14 =	simm.s32 $0x0;
	s13 =	simm.s32 $0x40  }
.LBB2_4:
0x1c: {  	p0 =	sne.s32 s13, $0x9C00;
	v1 =	vld [tilespmem:s14+$0x2780];
	_ =	sdelay $0x5  }
0x1d: {  	v2 =	vld [tilespmem:s14+$0x4F00];
	_ =	sdelay $0x1  }
0x1e: {  	v1 =	vld.idx.msk [tilespmem:v1+s3+$0x0], $0xffff;
	_ =	sdelay $0x1  }
.Ltmp1:
0x1f: {  	(pc) =	sbr.rel @p0 .LBB2_4-.Ltmp1, $2  }
0x20: {  	_ =	sdelay $0x2  }
0x21: {  	s14 =	sshra.s32 s13, $0x2;
	s13 =	sadd.s32 $0x40, s13;
	[tilespmem:v2+s11+$0x0] =	vst.idx.add.f32.msk $0xffff, v1  }
0x22: {  	v1 =	vld [tilespmem:s14+$0x2780];
	_ =	sdelay $0x4  }
0x23: {  	v2 =	vld [tilespmem:s14+$0x4F00];
	_ =	sdelay $0x2  }
0x24: {  	v1 =	vld.idx.msk [tilespmem:v1+s3+$0x0], $0xffff;
	_ =	sdelay $0x2  }
0x25: {  	s12 =	sadd.s32 $0x1, s12  }
0x26: {  	p0 =	sne.s32 s12, s7  }
.Ltmp2:
0x27: {  	[tilespmem:v2+s11+$0x0] =	vst.idx.add.f32.msk $0xffff, v1;
	(pc) =	sbr.rel @p0 .LBB2_1-.Ltmp2, $4  }
0x28: {  	[hbm4b:s6+s3] =	stream.linear.scatter [tilespmem:s11], [sflag:$0x1], $0x2780, $0x38;
	[tilespmem:$0x9E00] =	vst v63  }
0x29: {  	_ =	swait.ge [sflag:s8], $0x2780  }
0x2a: {  	[sflag:s8] =	ssyncset.done $0x0  }
0x2b: {  	[sflag:s8] =	ssyncadd.s32 $0xFFFFD880  }
0x2c: {  	_ =	sfence.sel $0x180000  }
0x2d: {  	[bflag:$0x0] =	sbarrier.arrive $0xFFFF  }
0x2e: {  	p0 =	sne.s32 s0, $0x0;
	_ =	strace $0x9000004D  }
0x2f: {  	s0 =	sadd.s32 @!p0 $0x100000, s1;
	[bflag:$0x2] =	sbarrier.arrive $0xFFFF  }
0x30: {  	[sflag:s0] =	ssyncadd.tile.s32 @!p0 $0x1;
	_ =	shalt  }
.Lfunc_end2:
_tile_overlayer_lowered:
.L_overlay_start_2:
0x31: {  	(tag) =	ssettag $0x2  }
0x32: {  	s0 =	rddreg [dreg:$0x0];
	s2 =	stileid.u32  }
0x33: {  	s1 =	rddreg [dreg:$0x1];
	p0 =	sne.s32 s2, $0x0  }
0x34: {  	s3 =	rddreg [dreg:$0x2];
	[bflag:$0x3] =	sbarrier.arrive $0xFFFF;
	s2 =	simm.s32 @!p0 $0x1C01  }
0x35: {  	[timem:s3], [sflag:s2] =	dma.local @!p0 [hbm:s0], s1  }
0x36: {  	s0 =	simm.s32 @!p0 $0x1  }
0x37: {  	_ =	swait.ge @!p0 [sflag:s0], s1  }
0x38: {  	s1 =	ssub.s32 @!p0 $0x0, s1;
	[sflag:s0] =	ssyncset.done @!p0 $0x0  }
0x39: {  	[sflag:s0] =	ssyncadd.s32 @!p0 s1  }
0x3a: {  	[bflag:$0x3] =	sbarrier.arrive $0xFFFF  }
0x3b: {  	_ =	shalt  }

// kernel: kernel.9.cloned.1.call-start
scs
__scs_entry_jumppad:
0x0: {  	(pc) =	sbr.rel $0x88, $3  }
0x1: {  	(tag) =	ssettag $0x0;
	lr =	simm.s32 $0x1  }
0x2: {  	[smem:$0x3F9B] =	sst lr;
	_ =	strace $0xD0000000  }
0x3: {  	_ = 	snop  }
0x4: {  	_ = 	snop  }
0x5: {  	_ = 	snop  }
0x6: {  	_ = 	snop  }
0x7: {  	_ = 	snop  }
__scs_overlays_trampoline_lowered:
0x8: {  	[smem:$0x3FAA] =	sst s0  }
0x9: {  	[smem:$0x3FAB] =	sst s1  }
0xa: {  	[smem:$0x3FAC] =	sst s2  }
0xb: {  	[smem:$0x3FAD] =	sst s3  }
0xc: {  	[smem:$0x3FAE] =	sst s4  }
0xd: {  	[smem:$0x3FAF] =	sst s5  }
0xe: {  	[smem:$0x3FB0] =	sst s6  }
0xf: {  	[smem:$0x3FB1] =	sst s7  }
0x10: {  	[smem:$0x3FB2] =	sst s8  }
0x11: {  	[smem:$0x3FB3] =	sst s9;
	s0 =	simm.s32 @!p0 $0x0  }
0x12: {  	s1 =	sld [smem:$0x3F99];
	s0 =	simm.s32 @p0 $0x1  }
0x13: {  	[smem:$0x3FB4] =	sst s0;
	s0 =	simm.s32 @!p1 $0x0  }
0x14: {  	s2 =	sld [smem:$0x3F98];
	s0 =	simm.s32 @p1 $0x1  }
0x15: {  	[smem:$0x3FB5] =	sst s0;
	s0 =	simm.s32 @!p2 $0x0  }
0x16: {  	s3 =	sld [smem:$0x3FDB];
	s0 =	simm.s32 @p2 $0x1  }
0x17: {  	s4 =	simm.s32 $0x1BF5;
	[smem:$0x3FB7] =	sst s0  }
0x18: {  	s0 =	sld [smem:$0x3F9A];
	_ =	swait.ge [sflag:s4], $0x0  }
0x19: {  	s7 =	sld [smem:$0x3F9B]  }
0x1a: {  	s8 =	sadd.s32 $0xFFFFE003, lr  }
0x1b: {  	s9 =	sadd.s32 $0xFFFFFEF7, lr;
	s5 =	simm.s32 $0xFFFFFFFF;
	p2 =	slt.u32 s8, $0xFFFFF086  }
0x1c: {  	p1 =	slt.u32 s9, $0xF7A;
	s5 =	simm.s32 @!p2 $0x0  }
0x1d: {  	s5 =	simm.s32 @p1 $0x1;
	p0 =	seq.s32 s7, s2  }
0x1e: {  	s7 =	smul.u32 @!p0 $0xF7A, s2;
	p2 =	seq.s32 @!p0 s5, $0x0  }
0x1f: {  	s9 =	smul.u32 $0xF7A, s1;
	s8 =	simm.s32 @!p0 $0x1BF5;
	p2 =	por !p2, p0  }
0x20: {  	[sflag:s8] =	ssyncset.s32 @!p0 $0xFFFFF086;
	s6 =	sadd.s32 @!p0 s3, s7;
	s7 =	simm.s32 @!p0 $0x108  }
0x21: {  	s3 =	sadd.s32 s3, s9;
	s6 =	sadd.s32 @!p0 $0x88, s6;
	s7 =	simm.s32 @p2 $0x1082  }
0x22: {  	[simem:s7], [sflag:s8] =	dma.local @!p0 [hbm:s6], $0xF7A  }
0x23: {  	s9 =	sor.u32 $0xD0000000, s2;
	s6 =	simm.s32 $0x108;
	_ =	swait.ge @!p0 [sflag:s8], $0x0  }
0x24: {  	s3 =	sadd.s32 $0x88, s3;
	s6 =	simm.s32 @!p1 $0x1082;
	[sflag:s4] =	ssyncset.s32 $0xFFFFF086  }
0x25: {  	[simem:s6], [sflag:s4] =	dma.local [hbm:s3], $0xF7A  }
0x26: {  	[smem:$0x3F9B] =	sst s1;
	(tag) =	ssettag s2;
	_ =	strace s9  }
0x27: {  	s1 =	sld [smem:$0x3FAB]  }
0x28: {  	s2 =	sld [smem:$0x3FAC]  }
0x29: {  	s4 =	sld [smem:$0x3FAE]  }
0x2a: {  	p0 =	seq.s32 s5, $0x0;
	s5 =	sld [smem:$0x3FAF]  }
0x2b: {  	s6 =	sld [smem:$0x3FB0]  }
0x2c: {  	s7 =	sld [smem:$0x3FB1]  }
0x2d: {  	s3 =	simm.s32 $0x108;
	s8 =	sld [smem:$0x3FB2]  }
0x2e: {  	s3 =	simm.s32 @!p0 $0x1082;
	s9 =	sld [smem:$0x3FB3]  }
0x2f: {  	lr =	sadd.s32 s0, s3;
	s0 =	sld [smem:$0x3FAA]  }
0x30: {  	s3 =	sld [smem:$0x3FAD]  }
0x31: {  	[smem:$0x3FB6] =	sst s10  }
0x32: {  	s10 =	sld [smem:$0x3FB4];
	_ =	sdelay $0x3  }
0x33: {  	p0 =	seq.s32 s10, $0x1;
	s10 =	sld [smem:$0x3FB6];
	_ =	sdelay $0x3  }
0x34: {  	[smem:$0x3FB6] =	sst s10  }
0x35: {  	s10 =	sld [smem:$0x3FB5];
	_ =	sdelay $0x3  }
0x36: {  	p1 =	seq.s32 s10, $0x1;
	s10 =	sld [smem:$0x3FB6];
	_ =	sdelay $0x3  }
0x37: {  	[smem:$0x3FB6] =	sst s10  }
0x38: {  	s10 =	sld [smem:$0x3FB7]  }
0x39: {  	_ = 	snop;
	(pc) =	sbr.ind lr, $3  }
0x3a: {  	_ = 	snop  }
0x3b: {  	_ = 	snop  }
0x3c: {  	p2 =	seq.s32 s10, $0x1;
	s10 =	sld [smem:$0x3FB6]  }
0x3d: {  	_ =	shalt  }
0x3e: {  	_ =	shalt  }
0x3f: {  	_ =	shalt  }
0x40: {  	_ =	shalt  }
0x41: {  	_ =	shalt  }
0x42: {  	_ =	shalt  }
0x43: {  	_ =	shalt  }
0x44: {  	_ =	shalt  }
0x45: {  	_ =	shalt  }
0x46: {  	_ =	shalt  }
0x47: {  	_ =	shalt  }
0x48: {  	_ =	shalt  }
0x49: {  	_ =	shalt  }
0x4a: {  	_ =	shalt  }
0x4b: {  	_ =	shalt  }
0x4c: {  	_ =	shalt  }
0x4d: {  	_ =	shalt  }
0x4e: {  	_ =	shalt  }
0x4f: {  	_ =	shalt  }
0x50: {  	_ =	shalt  }
0x51: {  	_ =	shalt  }
0x52: {  	_ =	shalt  }
0x53: {  	_ =	shalt  }
0x54: {  	_ =	shalt  }
0x55: {  	_ =	shalt  }
0x56: {  	_ =	shalt  }
0x57: {  	_ =	shalt  }
0x58: {  	_ =	shalt  }
0x59: {  	_ =	shalt  }
0x5a: {  	_ =	shalt  }
0x5b: {  	_ =	shalt  }
0x5c: {  	_ =	shalt  }
0x5d: {  	_ =	shalt  }
0x5e: {  	_ =	shalt  }
0x5f: {  	_ =	shalt  }
0x60: {  	_ =	shalt  }
0x61: {  	_ =	shalt  }
0x62: {  	_ =	shalt  }
0x63: {  	_ =	shalt  }
0x64: {  	_ =	shalt  }
0x65: {  	_ =	shalt  }
0x66: {  	_ =	shalt  }
0x67: {  	_ =	shalt  }
0x68: {  	_ =	shalt  }
0x69: {  	_ =	shalt  }
0x6a: {  	_ =	shalt  }
0x6b: {  	_ =	shalt  }
0x6c: {  	_ =	shalt  }
0x6d: {  	_ =	shalt  }
0x6e: {  	_ =	shalt  }
0x6f: {  	_ =	shalt  }
0x70: {  	_ =	shalt  }
0x71: {  	_ =	shalt  }
0x72: {  	_ =	shalt  }
0x73: {  	_ =	shalt  }
0x74: {  	_ =	shalt  }
0x75: {  	_ =	shalt  }
0x76: {  	_ =	shalt  }
0x77: {  	_ =	shalt  }
0x78: {  	_ =	shalt  }
0x79: {  	_ =	shalt  }
0x7a: {  	_ =	shalt  }
0x7b: {  	_ =	shalt  }
0x7c: {  	_ =	shalt  }
0x7d: {  	_ =	shalt  }
0x7e: {  	_ =	shalt  }
0x7f: {  	_ =	shalt  }
0x80: {  	_ =	shalt  }
0x81: {  	_ =	shalt  }
0x82: {  	_ =	shalt  }
0x83: {  	_ =	shalt  }
0x84: {  	_ =	shalt  }
0x85: {  	_ =	shalt  }
0x86: {  	_ =	shalt  }
0x87: {  	_ =	shalt  }
.Lfunc_end0:
.L_simem_size_0:
called_computation_lowered:
.L_overlay_start_0:
0x88: {  	s2 =	sld [smem:$0x3FD9]  }
0x89: {  	s3 =	sld [smem:$0x3FFE];
	_ =	sdelay $0x1  }
0x8a: {  	s1 =	srdreg.scid  }
0x8b: {  	s0 =	sand.u32 $0x1, s1  }
0x8c: {  	s16 =	sshll.u32 s0, $0xA;
	s2 =	sadd.s32 s3, s2  }
0x8d: {  	s2 =	sadd.s32 s2, s16  }
0x8e: {  	[smem:$0x3FC2] =	sst s2  }
0x8f: {  	_ = 	snop  }
0x90: {  	(tm) =	ssettm $0x1  }
0x91: {  	s17 =	sld [smem:$0x3FFB];
	_ =	sdelay $0x3  }
0x92: {  	_ =	strace s17  }
0x93: {  	s2 =	sld [smem:$0x3FFC];
	_ =	sdelay $0x3  }
0x94: {  	_ =	strace s2  }
0x95: {  	s2 =	sld [smem:$0x3FFD];
	_ =	sdelay $0x3  }
0x96: {  	_ =	strace s2  }
0x97: {  	_ =	strace $0x8FFFFFFF  }
0x98: {  	s18 =	sld [smem:$0x3FDB];
	_ =	sdelay $0x1  }
0x99: {  	s19 =	simm.s32 $_scs_section_size  }
0x9a: {  	s4 =	simm.s32 $_size__tile_overlayer_lowered;
	s5 =	simm.s32 $_tile_overlayer_lowered  }
0x9b: {  	s22 =	simm.s32 $0x1BFF;
	s21 =	sshll.u32 s5, $0x1;
	s2 =	sadd.s32 s19, s18  }
0x9c: {  	s6 =	simm.s32 $0x0;
	s20 =	sshll.u32 s4, $0x1;
	s4 =	sadd.s32 s21, s2  }
0x9d: {  	[timem:s6], [sflag:s22] =	dma.local [hbm:s4], s20  }
0x9e: {  	_ =	swait.ge [sflag:s22], s20  }
0x9f: {  	s3 =	ssub.s32 $0x0, s20;
	[sflag:s22] =	ssyncset.done $0x0  }
0xa0: {  	[sflag:s22] =	ssyncadd.s32 s3;
	_ =	sdelay $0x1  }
0xa1: {  	s23 =	simm.s32 $0x1B8B  }
0xa2: {  	_ =	swait.ge [sflag:s23], $0x1  }
0xa3: {  	[sflag:s23] =	ssyncset.done $0x0  }
0xa4: {  	s25 =	simm.s32 $0x1B8E;
	s24 =	sld [smem:$0x3FFE];
	[sflag:s23] =	ssyncadd.s32 $0xFFFFFFFF  }
0xa5: {  	s26 =	simm.s32 $execute0_lowered;
	[smem:$0x3FD2] =	sst s25  }
0xa6: {  	s4 =	sshll.u32 s26, $0x1;
	_ =	strace $0x80000046;
	[dreg:$0x1] =	wrdreg $0xFFFFFFFF  }
0xa7: {  	s28 =	simm.s32 $_size_execute0_lowered;
	s2 =	sadd.s32 s2, s4;
	[dreg:$0x0] =	wrdreg $0x0  }
0xa8: {  	s4 =	sshll.u32 s28, $0x1;
	[dreg:$0x2] =	wrdreg s2  }
0xa9: {  	[dreg:$0x3] =	wrdreg s4  }
0xaa: {  	[dreg:$0x4] =	wrdreg $0xC0  }
0xab: {  	_ =	task [dreg:s6], $0x5FFFF  }
0xac: {  	[dreg:$0x1] =	wrdreg $0xFFFFFFFF  }
0xad: {  	[dreg:$0x0] =	wrdreg $0x60  }
0xae: {  	[dreg:$0x2] =	wrdreg s24  }
0xaf: {  	[dreg:$0x3] =	wrdreg $0x9  }
0xb0: {  	_ =	task.clear_ibuf [dreg:s6], $0x4FFFF;
	_ =	strace $0x90000046  }
0xb1: {  	s29 =	simm.s32 $0x9;
	_ =	strace $0x80000048  }
0xb2: {  	_ =	swait.ge [sflag:s29], $0x1  }
0xb3: {  	[sflag:s29] =	ssyncadd.s32 $0xFFFFFFFF  }
0xb4: {  	_ =	strace $0x90000048  }
0xb5: {  	_ =	sfence  }
0xb6: {  	s30 =	sld [smem:$0x0];
	_ =	sdelay $0x2  }
0xb7: {  	s31 =	sshll.u32 s1, $0xD;
	s1 =	sshrl.u32 s1, $0x2  }
0xb8: {  	s3 =	sand.u32 $0x4000, s31;
	s1 =	sadd.s32 s1, s30  }
0xb9: {  	s0 =	sor.u32 s3, s0;
	s1 =	sshll.u32 s1, $0x11  }
0xba: {  	s0 =	sor.u32 s1, s0  }
0xbb: {  	s0 =	sadd.s32 $0x8F2B, s0  }
0xbc: {  	[sflag:s0] =	ssyncadd.remote.s32 $0x1  }
0xbd: {  	_ =	sfence.sel $0xFFFF  }
0xbe: {  	[dreg:$0x0] =	wrdreg $0xFFFFFFFF;
	(pc) =	sbr.abs _section_cstart, $3  }
0xbf: {  	[dreg:$0x1] =	wrdreg $0xFFFFFFFF  }
0xc0: {  	_ =	task.clear_ibuf [dreg:s6], $0x2FFFF;
	_ =	strace $0x9FFFFFFF  }
0xc1: {  	(tm) =	ssettm $0x7FFFFFFF  }
tec
execute0_lowered:
.L_overlay_start_1:
0x0: {  	(tag) =	ssettag $0x1  }
0x1: {  	s1 =	srdreg.scid  }
0x2: {  	s0 =	stileid.u32;
	s4 =	rddreg [dreg:$0x0];
	s2 =	simm.s32 $0x0  }
0x3: {  	s8 =	simm.s32 $0x1;
	s3 =	sand.u32 $0x1, s1;
	s30 =	sshll.u32 s0, $0x1  }
0x4: {  	s9 =	simm.s32 $0x2780;
	s10 =	simm.s32 $0x4F00;
	s1 =	sor.u32 s3, s30  }
0x5: {  	s11 =	simm.s32 $0x7680;
	s3 =	ssub.s32 $0x2, s3;
	s5 =	smul.u32 $0x4F0, s1  }
0x6: {  	s12 =	simm.s32 $0x0;
	[smem:$0x7FF] =	sst s2;
	s31 =	sshrl.u32 s3, $0x1  }
0x7: {  	s1 =	rddreg [dreg:$0x1];
	s7 =	ssub.s32 s3, s31;
	s6 =	sadd.s32 s5, s4  }
0x8: {  	_ =	strace $0x80000047;
	s7 =	smax.u32 s7, $0x1;
	s3 =	sadd.s32 $0x1800, s6  }
0x9: {  	v0 =	vimm.f32 $0.0e+00;
	v1 =	vimm.f32 $1.000000000e+00;
	s4 =	sadd.s32 $0xB600, s6;
	s5 =	sadd.s32 $0x15400, s6;
	s6 =	sadd.s32 $0x1F200, s6  }
.LBB2_1:
0xa: {  	[tilespmem:s2], [sflag:$0x1] =	stream.linear.gather [hbm4b:s3+s2], $0x2780, $0x38;
	[tilespmem:$0x9E00] =	vst v63  }
0xb: {  	_ =	swait.ge [sflag:s8], $0x2780  }
0xc: {  	[sflag:s8] =	ssyncset.done $0x0  }
0xd: {  	[sflag:s8] =	ssyncadd.s32 $0xFFFFD880  }
0xe: {  	[tilespmem:s9], [sflag:$0x1] =	stream.linear.gather [hbm4b:s4+s2], $0x2780, $0x38;
	[tilespmem:$0x9E00] =	vst v63  }
0xf: {  	_ =	swait.ge [sflag:s8], $0x2780  }
0x10: {  	[sflag:s8] =	ssyncset.done $0x0  }
0x11: {  	s13 =	simm.s32 $0x0;
	[sflag:s8] =	ssyncadd.s32 $0xFFFFD880  }
.LBB2_2:
0x12: {  	p0 =	sne.s32 s13, $0x9C00  }
.Ltmp0:
0x13: {  	_ = 	snop;
	(pc) =	sbr.rel @p0 .LBB2_2-.Ltmp0, $4  }
0x14: {  	_ = 	snop  }
0x15: {  	s14 =	sshra.s32 s13, $0x2  }
0x16: {  	[tilespmem:s14+$0x4F00] =	vst v0  }
0x17: {  	s13 =	sadd.s32 $0x40, s13;
	[tilespmem:s14+$0x7680] =	vst v0  }
0x18: {  	s14 =	simm.s32 $0x0  }
0x19: {  	s13 =	simm.s32 $0x40;
	v2 =	vld [tilespmem:s14+$0x0]  }
.LBB2_4:
0x1a: {  	p0 =	sne.s32 s13, $0x9C00;
	v3 =	vld [tilespmem:s14+$0x2780];
	_ =	sdelay $0x4  }
.Ltmp1:
0x1b: {  	(pc) =	sbr.rel @p0 .LBB2_4-.Ltmp1, $4  }
0x1c: {  	_ = 	snop  }
0x1d: {  	[tilespmem:v2+s10+$0x0] =	vst.idx.add.f32.msk $0xffff, v1  }
0x1e: {  	s14 =	sshra.s32 s13, $0x2;
	[tilespmem:v3+s11+$0x0] =	vst.idx.add.f32.msk $0xffff, v1  }
0x1f: {  	s13 =	sadd.s32 $0x40, s13;
	v2 =	vld [tilespmem:s14+$0x0]  }
0x20: {  	_ = 	snop  }
0x21: {  	v3 =	vld [tilespmem:s14+$0x2780];
	_ =	sdelay $0x6  }
0x22: {  	[tilespmem:v2+s10+$0x0] =	vst.idx.add.f32.msk $0xffff, v1  }
0x23: {  	[tilespmem:v3+s11+$0x0] =	vst.idx.add.f32.msk $0xffff, v1  }
0x24: {  	[hbm4b:s5+s2] =	stream.linear.scatter [tilespmem:s10], [sflag:$0x1], $0x2780, $0x38;
	[tilespmem:$0x9E00] =	vst v63  }
0x25: {  	s12 =	sadd.s32 $0x1, s12;
	_ =	swait.ge [sflag:s8], $0x2780  }
0x26: {  	p0 =	sne.s32 s12, s7;
	[sflag:s8] =	ssyncset.done $0x0  }
.Ltmp2:
0x27: {  	[sflag:s8] =	ssyncadd.s32 $0xFFFFD880;
	(pc) =	sbr.rel @p0 .LBB2_1-.Ltmp2, $4  }
0x28: {  	[hbm4b:s6+s2] =	stream.linear.scatter [tilespmem:s11], [sflag:$0x1], $0x2780, $0x38;
	[tilespmem:$0x9E00] =	vst v63  }
0x29: {  	_ =	swait.ge [sflag:s8], $0x2780  }
0x2a: {  	[sflag:s8] =	ssyncset.done $0x0  }
0x2b: {  	[sflag:s8] =	ssyncadd.s32 $0xFFFFD880  }
0x2c: {  	_ =	sfence.sel $0x180000  }
0x2d: {  	[bflag:$0x0] =	sbarrier.arrive $0xFFFF  }
0x2e: {  	p0 =	sne.s32 s0, $0x0;
	_ =	strace $0x90000047  }
0x2f: {  	s0 =	sadd.s32 @!p0 $0x100000, s1;
	[bflag:$0x2] =	sbarrier.arrive $0xFFFF  }
0x30: {  	[sflag:s0] =	ssyncadd.tile.s32 @!p0 $0x1;
	_ =	shalt  }
.Lfunc_end2:
_tile_overlayer_lowered:
.L_overlay_start_2:
0x31: {  	(tag) =	ssettag $0x2  }
0x32: {  	s0 =	rddreg [dreg:$0x0];
	s2 =	stileid.u32  }
0x33: {  	s1 =	rddreg [dreg:$0x1];
	p0 =	sne.s32 s2, $0x0  }
0x34: {  	s3 =	rddreg [dreg:$0x2];
	[bflag:$0x3] =	sbarrier.arrive $0xFFFF;
	s2 =	simm.s32 @!p0 $0x1C01  }
0x35: {  	[timem:s3], [sflag:s2] =	dma.local @!p0 [hbm:s0], s1  }
0x36: {  	s0 =	simm.s32 @!p0 $0x1  }
0x37: {  	_ =	swait.ge @!p0 [sflag:s0], s1  }
0x38: {  	s1 =	ssub.s32 @!p0 $0x0, s1;
	[sflag:s0] =	ssyncset.done @!p0 $0x0  }
0x39: {  	[sflag:s0] =	ssyncadd.s32 @!p0 s1  }
0x3a: {  	[bflag:$0x3] =	sbarrier.arrive $0xFFFF  }
0x3b: {  	_ =	shalt  }

</sc_bundles>
